<compile_context>
chip_gen: v7x
topology: tpu7x:2x2x1
jax: 0.10.2.dev20260603
libtpu: 0.0.44.dev20260713+nightly
codegen_flags: <defaults>
</compile_context>

<pallas_src>
import functools

import jax
import jax.numpy as jnp
from jax import lax
from jax.experimental import pallas as pl
from jax.experimental.pallas import tpu as pltpu
from jax.experimental.pallas import tpu_sc as plsc

NC = 2
NS = 16
NW = NC * NS
CH = 80


@functools.lru_cache(maxsize=None)
def _make_seg_sum(n, d, e):
    per_w = e // NW
    nch = -(-per_w // CH)
    per_w_pad = nch * CH
    rows_per_tile = -(-(n + NW) // (NS * 8)) * 8
    n_pad = rows_per_tile * NS

    mesh = plsc.VectorSubcoreMesh(core_axis_name="c", subcore_axis_name="s")

    @functools.partial(
        pl.kernel,
        out_type=jax.ShapeDtypeStruct((NC, n_pad, d), jnp.float32),
        mesh=mesh,
        scratch_types=[
            pltpu.VMEM((per_w_pad,), jnp.int32),
            pltpu.VMEM((nch, CH), jnp.int32),
            pltpu.VMEM((CH, d), jnp.float32),
            pltpu.VMEM((CH, d), jnp.float32),
            pltpu.VMEM_SHARED((n_pad, d), jnp.float32),
            pltpu.SemaphoreType.DMA,
            pltpu.SemaphoreType.DMA,
            pltpu.SemaphoreType.DMA,
            pltpu.SemaphoreType.DMA,
        ],
    )
    def seg_sum(x_hbm, src_hbm, dst_hbm, zeros_hbm, out_hbm,
                srcb, dstb, rows_a, rows_b, agg, sem_a, sem_b,
                sem_sa, sem_sb):
        c = lax.axis_index("c")
        s = lax.axis_index("s")
        wid = s * NC + c
        base_n = s * rows_per_tile

        def fire(j, buf, sem):
            pltpu.async_copy(x_hbm.at[srcb.at[pl.ds(j * CH, CH)]], buf, sem)

        def gwait(j, buf, sem):
            pltpu.make_async_copy(x_hbm.at[srcb.at[pl.ds(j * CH, CH)]],
                                  buf, sem).wait()

        def scat(j, buf, sem):
            pltpu.async_copy(buf, agg.at[dstb.at[j]], sem, add=True)

        def swait(j, buf, sem):
            pltpu.make_async_copy(buf, agg.at[dstb.at[j]], sem).wait()

        pltpu.async_copy(zeros_hbm.at[pl.ds(base_n, rows_per_tile)],
                         agg.at[pl.ds(base_n, rows_per_tile)], sem_a)
        pltpu.async_copy(src_hbm.at[wid], srcb, sem_b)
        pltpu.async_copy(dst_hbm.at[wid], dstb, sem_sa)
        pltpu.make_async_copy(zeros_hbm.at[pl.ds(base_n, rows_per_tile)],
                              agg.at[pl.ds(base_n, rows_per_tile)],
                              sem_a).wait()
        pltpu.make_async_copy(src_hbm.at[wid], srcb, sem_b).wait()
        pltpu.make_async_copy(dst_hbm.at[wid], dstb, sem_sa).wait()
        plsc.subcore_barrier()

        def drain(j, buf, gsem, ssem):
            gwait(j, buf, gsem)
            scat(j, buf, ssem)
            swait(j, buf, ssem)

        fire(0, rows_a, sem_a)
        if nch % 2 == 1:
            @pl.loop(0, nch - 1, step=2)
            def _(j):
                fire(j + 1, rows_b, sem_b)
                drain(j, rows_a, sem_a, sem_sa)
                fire(j + 2, rows_a, sem_a)
                drain(j + 1, rows_b, sem_b, sem_sb)

            drain(nch - 1, rows_a, sem_a, sem_sa)
        else:
            @pl.loop(0, nch, step=2)
            def _(j):
                fire(j + 1, rows_b, sem_b)
                drain(j, rows_a, sem_a, sem_sa)

                @pl.when(j + 2 < nch)
                def _():
                    fire(j + 2, rows_a, sem_a)

                drain(j + 1, rows_b, sem_b, sem_sb)

        plsc.subcore_barrier()
        pltpu.sync_copy(agg.at[pl.ds(base_n, rows_per_tile)],
                        out_hbm.at[c].at[pl.ds(base_n, rows_per_tile)])

    return seg_sum, nch, per_w, per_w_pad, n_pad


@functools.lru_cache(maxsize=None)
def _make_dense_root(n, d_in, d_out):
    blk = 2000
    grid = (n // blk,)

    def body(x_ref, wo_ref, b_ref, o_ref):
        o_ref[...] = jnp.dot(x_ref[...], wo_ref[...],
                             preferred_element_type=jnp.float32) + b_ref[...]

    return pl.pallas_call(
        body,
        grid=grid,
        in_specs=[
            pl.BlockSpec((blk, d_in), lambda i: (i, 0)),
            pl.BlockSpec((d_in, d_out), lambda i: (0, 0)),
            pl.BlockSpec((1, d_out), lambda i: (0, 0)),
        ],
        out_specs=pl.BlockSpec((blk, d_out), lambda i: (i, 0)),
        out_shape=jax.ShapeDtypeStruct((n, d_out), jnp.float32),
    )


@functools.lru_cache(maxsize=None)
def _make_dense_rel(n, d_in, d_out, relu):
    blk = 2000
    grid = (n // blk,)

    def body(a0_ref, a1_ref, r_ref, wr_ref, o_ref):
        a = a0_ref[...] + a1_ref[...]
        acc = jnp.dot(a, wr_ref[...], preferred_element_type=jnp.float32)
        acc = acc + r_ref[...]
        if relu:
            acc = jnp.maximum(acc, 0.0)
        o_ref[...] = acc

    return pl.pallas_call(
        body,
        grid=grid,
        in_specs=[
            pl.BlockSpec((blk, d_in), lambda i: (i, 0)),
            pl.BlockSpec((blk, d_in), lambda i: (i, 0)),
            pl.BlockSpec((blk, d_out), lambda i: (i, 0)),
            pl.BlockSpec((d_in, d_out), lambda i: (0, 0)),
        ],
        out_specs=pl.BlockSpec((blk, d_out), lambda i: (i, 0)),
        out_shape=jax.ShapeDtypeStruct((n, d_out), jnp.float32),
    )


def kernel(x, edge_index, W1_rel, b1, W1_root, W2_rel, b2, W2_root):
    n, d = x.shape
    e = edge_index.shape[1]
    seg_sum, nch, per_w, per_w_pad, n_pad = _make_seg_sum(n, d, e)
    pad = per_w_pad - per_w
    src = jnp.pad(edge_index[0].reshape(NW, per_w), ((0, 0), (0, pad)))
    dump = jnp.broadcast_to(n + jnp.arange(NW, dtype=jnp.int32)[:, None],
                            (NW, pad))
    dst = jnp.concatenate([edge_index[1].reshape(NW, per_w), dump],
                          axis=1).reshape(NW, nch, CH)
    zeros = jnp.zeros((n_pad, d), jnp.float32)

    p1 = seg_sum(x, src, dst, zeros)
    root1 = _make_dense_root(n, d, W1_root.shape[0])(x, W1_root.T, b1[None, :])
    h = _make_dense_rel(n, d, W1_rel.shape[0], True)(
        p1[0], p1[1], root1, W1_rel.T)
    p2 = seg_sum(h, src, dst, zeros)
    root2 = _make_dense_root(n, d, W2_root.shape[0])(h, W2_root.T, b2[None, :])
    out = _make_dense_rel(n, d, W2_rel.shape[0], False)(
        p2[0], p2[1], root2, W2_rel.T)
    return out

# --- scband reference (transcript-rebuilt; emitter-appended) ---
"""Pipeline reference for scband-composer-gcn-22565758173359 (READ-ONLY COPY).

The authoritative reference and input builder live on the scoring server;
editing this copy changes nothing except your own understanding.
"""

import jax, jax.numpy as jnp
import numpy as np

N = 10000
E = 320000
D_IN = 128
D_H = 128
D_OUT = 128


def setup_inputs(seed: int = 0):
    key = jax.random.key(seed)
    ks = jax.random.split(key, 8)
    x = jax.random.normal(ks[0], (N, D_IN), dtype=jnp.float32)
    edge_index = jax.random.randint(ks[1], (2, E), 0, N, dtype=jnp.int32)
    s1 = float(1.0 / np.sqrt(D_IN))
    s2 = float(1.0 / np.sqrt(D_H))
    W1_rel = jax.random.uniform(ks[2], (D_H, D_IN), jnp.float32, -s1, s1)
    b1 = jax.random.uniform(ks[3], (D_H,), jnp.float32, -s1, s1)
    W1_root = jax.random.uniform(ks[4], (D_H, D_IN), jnp.float32, -s1, s1)
    W2_rel = jax.random.uniform(ks[5], (D_OUT, D_H), jnp.float32, -s2, s2)
    b2 = jax.random.uniform(ks[6], (D_OUT,), jnp.float32, -s2, s2)
    W2_root = jax.random.uniform(ks[7], (D_OUT, D_H), jnp.float32, -s2, s2)
    return {"x": x, "edge_index": edge_index, "W1_rel": W1_rel, "b1": b1,
            "W1_root": W1_root, "W2_rel": W2_rel, "b2": b2, "W2_root": W2_root}


def _graph_conv(x, edge_index, W_rel, b_rel, W_root):
    # PyG GraphConv: out = lin_rel(sum_{j in N(i)} x_j) + lin_root(x_i)
    src = edge_index[0]
    dst = edge_index[1]
    msgs = jnp.take(x, src, axis=0)                      # gather x_j per edge
    agg = jax.ops.segment_sum(msgs, dst, num_segments=N)  # scatter-add to dst
    return agg @ W_rel.T + b_rel + x @ W_root.T


def reference(x, edge_index, W1_rel, b1, W1_root, W2_rel, b2, W2_root):
    h = _graph_conv(x, edge_index, W1_rel, b1, W1_root)
    h = jax.nn.relu(h)
    out = _graph_conv(h, edge_index, W2_rel, b2, W2_root)
    return out

if __name__ == "__main__":
    import jax
    _d = setup_inputs()
    print(jax.jit(kernel)(*tuple(_d.values())))

</pallas_src>

<mosaic_0001>
#map = affine_map<(d0, d1) -> (0, 0)>
#map1 = affine_map<(d0, d1) -> (0, 0, 0)>
module attributes {stable_mosaic.version = 14 : i64} {
  func.func @seg_sum(%arg0: i32, %arg1: i32, %arg2: memref<10000x128xf32, #tpu.memory_space<hbm>>, %arg3: memref<32x10000xi32, #tpu.memory_space<hbm>>, %arg4: memref<32x125x80xi32, #tpu.memory_space<hbm>>, %arg5: memref<10112x128xf32, #tpu.memory_space<hbm>>, %arg6: memref<2x10112x128xf32, #tpu.memory_space<hbm>>, %arg7: memref<10000xi32, #tpu.memory_space<vmem>>, %arg8: memref<125x80xi32, #tpu.memory_space<vmem>>, %arg9: memref<80x128xf32, #tpu.memory_space<vmem>>, %arg10: memref<80x128xf32, #tpu.memory_space<vmem>>, %arg11: memref<10112x128xf32, #tpu.memory_space<vmem_shared>>, %arg12: memref<!tpu.dma_semaphore, #tpu.memory_space<semaphore_mem>>, %arg13: memref<!tpu.dma_semaphore, #tpu.memory_space<semaphore_mem>>, %arg14: memref<!tpu.dma_semaphore, #tpu.memory_space<semaphore_mem>>, %arg15: memref<!tpu.dma_semaphore, #tpu.memory_space<semaphore_mem>>) attributes {dimension_semantics = [#tpu.dimension_semantics<core_parallel>, #tpu.dimension_semantics<subcore_parallel>], iteration_bounds = array<i64: 2, 16>, scalar_prefetch = 0 : i64, scratch_operands = 9 : i64, tpu.core_type = #tpu.core_type<sc_vector_subcore>, window_params = [{transform_indices = #map}, {transform_indices = #map}, {transform_indices = #map1}, {transform_indices = #map}, {transform_indices = #map1}]} {
    %mul3A = arith.constant 2 : i32
    %mul3A_0 = arith.muli %arg1, %mul3A : i32
    %add3A = arith.addi %mul3A_0, %arg0 : i32
    %mul3A_1 = arith.constant 632 : i32
    %mul3A_2 = arith.muli %arg1, %mul3A_1 : i32
    %dma_start3A = arith.constant 0 : i32
    %dma_start3A_3 = tpu.memref_slice %arg11[%mul3A_2, %dma_start3A] : memref<10112x128xf32, #tpu.memory_space<vmem_shared>> -> memref<632x128xf32, #tpu.memory_space<vmem_shared>>
    %dma_start3A_4 = arith.constant 0 : i32
    %dma_start3A_5 = tpu.memref_slice %arg5[%mul3A_2, %dma_start3A_4] : memref<10112x128xf32, #tpu.memory_space<hbm>> -> memref<632x128xf32, #tpu.memory_space<hbm>>
    tpu.enqueue_dma source(%dma_start3A_5 : memref<632x128xf32, #tpu.memory_space<hbm>>) target(%dma_start3A_3 : memref<632x128xf32, #tpu.memory_space<vmem_shared>>) target_semaphore(%arg12 : memref<!tpu.dma_semaphore, #tpu.memory_space<semaphore_mem>>)
    %dma_start3A_6 = arith.constant 0 : i32
    %dma_start3A_7 = tpu.memref_slice %arg3[%add3A, %dma_start3A_6] : memref<32x10000xi32, #tpu.memory_space<hbm>> -> memref<1x10000xi32, #tpu.memory_space<hbm>>
    %dma_start3A_8 = tpu.memref_squeeze %dma_start3A_7 : memref<1x10000xi32, #tpu.memory_space<hbm>> -> memref<10000xi32, #tpu.memory_space<hbm>>
    %dma_start3A_9 = arith.constant 0 : i32
    %dma_start3A_10 = tpu.memref_slice %arg3[%add3A, %dma_start3A_9] : memref<32x10000xi32, #tpu.memory_space<hbm>> -> memref<1x10000xi32, #tpu.memory_space<hbm>>
    %dma_start3A_11 = tpu.memref_squeeze %dma_start3A_10 : memref<1x10000xi32, #tpu.memory_space<hbm>> -> memref<10000xi32, #tpu.memory_space<hbm>>
    tpu.enqueue_dma source(%dma_start3A_11 : memref<10000xi32, #tpu.memory_space<hbm>>) target(%arg7 : memref<10000xi32, #tpu.memory_space<vmem>>) target_semaphore(%arg13 : memref<!tpu.dma_semaphore, #tpu.memory_space<semaphore_mem>>)
    %dma_start3A_12 = arith.constant 0 : i32
    %dma_start3A_13 = arith.constant 0 : i32
    %dma_start3A_14 = tpu.memref_slice %arg4[%add3A, %dma_start3A_12, %dma_start3A_13] : memref<32x125x80xi32, #tpu.memory_space<hbm>> -> memref<1x125x80xi32, #tpu.memory_space<hbm>>
    %dma_start3A_15 = tpu.memref_squeeze %dma_start3A_14 : memref<1x125x80xi32, #tpu.memory_space<hbm>> -> memref<125x80xi32, #tpu.memory_space<hbm>>
    %dma_start3A_16 = arith.constant 0 : i32
    %dma_start3A_17 = arith.constant 0 : i32
    %dma_start3A_18 = tpu.memref_slice %arg4[%add3A, %dma_start3A_16, %dma_start3A_17] : memref<32x125x80xi32, #tpu.memory_space<hbm>> -> memref<1x125x80xi32, #tpu.memory_space<hbm>>
    %dma_start3A_19 = tpu.memref_squeeze %dma_start3A_18 : memref<1x125x80xi32, #tpu.memory_space<hbm>> -> memref<125x80xi32, #tpu.memory_space<hbm>>
    tpu.enqueue_dma source(%dma_start3A_19 : memref<125x80xi32, #tpu.memory_space<hbm>>) target(%arg8 : memref<125x80xi32, #tpu.memory_space<vmem>>) target_semaphore(%arg14 : memref<!tpu.dma_semaphore, #tpu.memory_space<semaphore_mem>>)
    %dma_wait3A = arith.constant 0 : i32
    %dma_wait3A_20 = tpu.memref_slice %arg11[%mul3A_2, %dma_wait3A] : memref<10112x128xf32, #tpu.memory_space<vmem_shared>> -> memref<632x128xf32, #tpu.memory_space<vmem_shared>>
    %dma_wait3A_21 = arith.constant 0 : i32
    %dma_wait3A_22 = tpu.memref_slice %arg5[%mul3A_2, %dma_wait3A_21] : memref<10112x128xf32, #tpu.memory_space<hbm>> -> memref<632x128xf32, #tpu.memory_space<hbm>>
    tpu.wait_dma2 semaphore(%arg12 : memref<!tpu.dma_semaphore, #tpu.memory_space<semaphore_mem>>) src(%dma_wait3A_22 : memref<632x128xf32, #tpu.memory_space<hbm>>) dst(%dma_wait3A_20 : memref<632x128xf32, #tpu.memory_space<vmem_shared>>)
    %dma_wait3A_23 = arith.constant 0 : i32
    %dma_wait3A_24 = tpu.memref_slice %arg3[%add3A, %dma_wait3A_23] : memref<32x10000xi32, #tpu.memory_space<hbm>> -> memref<1x10000xi32, #tpu.memory_space<hbm>>
    %dma_wait3A_25 = tpu.memref_squeeze %dma_wait3A_24 : memref<1x10000xi32, #tpu.memory_space<hbm>> -> memref<10000xi32, #tpu.memory_space<hbm>>
    %dma_wait3A_26 = arith.constant 0 : i32
    %dma_wait3A_27 = tpu.memref_slice %arg3[%add3A, %dma_wait3A_26] : memref<32x10000xi32, #tpu.memory_space<hbm>> -> memref<1x10000xi32, #tpu.memory_space<hbm>>
    %dma_wait3A_28 = tpu.memref_squeeze %dma_wait3A_27 : memref<1x10000xi32, #tpu.memory_space<hbm>> -> memref<10000xi32, #tpu.memory_space<hbm>>
    tpu.wait_dma2 semaphore(%arg13 : memref<!tpu.dma_semaphore, #tpu.memory_space<semaphore_mem>>) src(%dma_wait3A_28 : memref<10000xi32, #tpu.memory_space<hbm>>) dst(%arg7 : memref<10000xi32, #tpu.memory_space<vmem>>)
    %dma_wait3A_29 = arith.constant 0 : i32
    %dma_wait3A_30 = arith.constant 0 : i32
    %dma_wait3A_31 = tpu.memref_slice %arg4[%add3A, %dma_wait3A_29, %dma_wait3A_30] : memref<32x125x80xi32, #tpu.memory_space<hbm>> -> memref<1x125x80xi32, #tpu.memory_space<hbm>>
    %dma_wait3A_32 = tpu.memref_squeeze %dma_wait3A_31 : memref<1x125x80xi32, #tpu.memory_space<hbm>> -> memref<125x80xi32, #tpu.memory_space<hbm>>
    %dma_wait3A_33 = arith.constant 0 : i32
    %dma_wait3A_34 = arith.constant 0 : i32
    %dma_wait3A_35 = tpu.memref_slice %arg4[%add3A, %dma_wait3A_33, %dma_wait3A_34] : memref<32x125x80xi32, #tpu.memory_space<hbm>> -> memref<1x125x80xi32, #tpu.memory_space<hbm>>
    %dma_wait3A_36 = tpu.memref_squeeze %dma_wait3A_35 : memref<1x125x80xi32, #tpu.memory_space<hbm>> -> memref<125x80xi32, #tpu.memory_space<hbm>>
    tpu.wait_dma2 semaphore(%arg14 : memref<!tpu.dma_semaphore, #tpu.memory_space<semaphore_mem>>) src(%dma_wait3A_36 : memref<125x80xi32, #tpu.memory_space<hbm>>) dst(%arg8 : memref<125x80xi32, #tpu.memory_space<vmem>>)
    %barrier3A = arith.constant 0 : index
    tpu.barrier barrier_id(%barrier3A)
    %dma_start3A_37 = arith.constant 0 : i32
    %dma_start3A_38 = tpu.memref_slice %arg7[%dma_start3A_37] : memref<10000xi32, #tpu.memory_space<vmem>> -> memref<80xi32, #tpu.memory_space<vmem>>
    %dma_start3A_39 = arith.constant 0 : i32
    %dma_start3A_40 = arith.constant 0 : i32
    %dma_start3A_41 = tpu.memref_slice %arg2[%dma_start3A_39, %dma_start3A_40] : memref<10000x128xf32, #tpu.memory_space<hbm>> -> memref<10000x128xf32, #tpu.memory_space<hbm>>
    tpu.enqueue_indirect_dma source(%dma_start3A_41 : memref<10000x128xf32, #tpu.memory_space<hbm>>) target(%arg9 : memref<80x128xf32, #tpu.memory_space<vmem>>) offsets(%dma_start3A_38 : memref<80xi32, #tpu.memory_space<vmem>>) semaphore(%arg12 : memref<!tpu.dma_semaphore, #tpu.memory_space<semaphore_mem>>)
    %scan3A = arith.constant 0 : i32
    %scan3A_42 = arith.constant 62 : i32
    %scan3A_43 = arith.addi %scan3A, %scan3A_42 : i32
    %scan3A_44 = arith.constant 1 : i32
    scf.for %scan3A_66 = %scan3A to %scan3A_43 step %scan3A_44  : i32 {
      %mul3A_67 = arith.constant 2 : i32
      %mul3A_68 = arith.muli %scan3A_66, %mul3A_67 : i32
      %add3A_69 = arith.constant 0 : i32
      %add3A_70 = arith.addi %add3A_69, %mul3A_68 : i32
      %add3A_71 = arith.constant 1 : i32
      %add3A_72 = arith.addi %add3A_70, %add3A_71 : i32
      %mul3A_73 = arith.constant 80 : i32
      %mul3A_74 = arith.muli %add3A_72, %mul3A_73 : i32
      %dma_start3A_75 = tpu.memref_slice %arg7[%mul3A_74] : memref<10000xi32, #tpu.memory_space<vmem>> -> memref<80xi32, #tpu.memory_space<vmem>>
      %dma_start3A_76 = arith.constant 0 : i32
      %dma_start3A_77 = arith.constant 0 : i32
      %dma_start3A_78 = tpu.memref_slice %arg2[%dma_start3A_76, %dma_start3A_77] : memref<10000x128xf32, #tpu.memory_space<hbm>> -> memref<10000x128xf32, #tpu.memory_space<hbm>>
      tpu.enqueue_indirect_dma source(%dma_start3A_78 : memref<10000x128xf32, #tpu.memory_space<hbm>>) target(%arg10 : memref<80x128xf32, #tpu.memory_space<vmem>>) offsets(%dma_start3A_75 : memref<80xi32, #tpu.memory_space<vmem>>) semaphore(%arg13 : memref<!tpu.dma_semaphore, #tpu.memory_space<semaphore_mem>>)
      %mul3A_79 = arith.constant 80 : i32
      %mul3A_80 = arith.muli %add3A_70, %mul3A_79 : i32
      %dma_wait3A_81 = tpu.memref_slice %arg7[%mul3A_80] : memref<10000xi32, #tpu.memory_space<vmem>> -> memref<80xi32, #tpu.memory_space<vmem>>
      %dma_wait3A_82 = arith.constant 0 : i32
      %dma_wait3A_83 = arith.constant 0 : i32
      %dma_wait3A_84 = tpu.memref_slice %arg2[%dma_wait3A_82, %dma_wait3A_83] : memref<10000x128xf32, #tpu.memory_space<hbm>> -> memref<10000x128xf32, #tpu.memory_space<hbm>>
      tpu.wait_indirect_dma semaphore(%arg12 : memref<!tpu.dma_semaphore, #tpu.memory_space<semaphore_mem>>) src(%dma_wait3A_84 : memref<10000x128xf32, #tpu.memory_space<hbm>>) dst(%arg9 : memref<80x128xf32, #tpu.memory_space<vmem>>)
      %dma_start3A_85 = arith.constant 0 : i32
      %dma_start3A_86 = tpu.memref_slice %arg8[%add3A_70, %dma_start3A_85] : memref<125x80xi32, #tpu.memory_space<vmem>> -> memref<1x80xi32, #tpu.memory_space<vmem>>
      %dma_start3A_87 = tpu.memref_squeeze %dma_start3A_86 : memref<1x80xi32, #tpu.memory_space<vmem>> -> memref<80xi32, #tpu.memory_space<vmem>>
      %dma_start3A_88 = arith.constant 0 : i32
      %dma_start3A_89 = arith.constant 0 : i32
      %dma_start3A_90 = tpu.memref_slice %arg11[%dma_start3A_88, %dma_start3A_89] : memref<10112x128xf32, #tpu.memory_space<vmem_shared>> -> memref<10112x128xf32, #tpu.memory_space<vmem_shared>>
      tpu.enqueue_indirect_dma source(%arg9 : memref<80x128xf32, #tpu.memory_space<vmem>>) target(%dma_start3A_90 : memref<10112x128xf32, #tpu.memory_space<vmem_shared>>) offsets(%dma_start3A_87 : memref<80xi32, #tpu.memory_space<vmem>>) semaphore(%arg14 : memref<!tpu.dma_semaphore, #tpu.memory_space<semaphore_mem>>) {add = true}
      %dma_wait3A_91 = arith.constant 0 : i32
      %dma_wait3A_92 = tpu.memref_slice %arg8[%add3A_70, %dma_wait3A_91] : memref<125x80xi32, #tpu.memory_space<vmem>> -> memref<1x80xi32, #tpu.memory_space<vmem>>
      %dma_wait3A_93 = tpu.memref_squeeze %dma_wait3A_92 : memref<1x80xi32, #tpu.memory_space<vmem>> -> memref<80xi32, #tpu.memory_space<vmem>>
      %dma_wait3A_94 = arith.constant 0 : i32
      %dma_wait3A_95 = arith.constant 0 : i32
      %dma_wait3A_96 = tpu.memref_slice %arg11[%dma_wait3A_94, %dma_wait3A_95] : memref<10112x128xf32, #tpu.memory_space<vmem_shared>> -> memref<10112x128xf32, #tpu.memory_space<vmem_shared>>
      tpu.wait_indirect_dma semaphore(%arg14 : memref<!tpu.dma_semaphore, #tpu.memory_space<semaphore_mem>>) src(%arg9 : memref<80x128xf32, #tpu.memory_space<vmem>>) dst(%dma_wait3A_96 : memref<10112x128xf32, #tpu.memory_space<vmem_shared>>)
      %add3A_97 = arith.constant 2 : i32
      %add3A_98 = arith.addi %add3A_70, %add3A_97 : i32
      %mul3A_99 = arith.constant 80 : i32
      %mul3A_100 = arith.muli %add3A_98, %mul3A_99 : i32
      %dma_start3A_101 = tpu.memref_slice %arg7[%mul3A_100] : memref<10000xi32, #tpu.memory_space<vmem>> -> memref<80xi32, #tpu.memory_space<vmem>>
      %dma_start3A_102 = arith.constant 0 : i32
      %dma_start3A_103 = arith.constant 0 : i32
      %dma_start3A_104 = tpu.memref_slice %arg2[%dma_start3A_102, %dma_start3A_103] : memref<10000x128xf32, #tpu.memory_space<hbm>> -> memref<10000x128xf32, #tpu.memory_space<hbm>>
      tpu.enqueue_indirect_dma source(%dma_start3A_104 : memref<10000x128xf32, #tpu.memory_space<hbm>>) target(%arg9 : memref<80x128xf32, #tpu.memory_space<vmem>>) offsets(%dma_start3A_101 : memref<80xi32, #tpu.memory_space<vmem>>) semaphore(%arg12 : memref<!tpu.dma_semaphore, #tpu.memory_space<semaphore_mem>>)
      %add3A_105 = arith.constant 1 : i32
      %add3A_106 = arith.addi %add3A_70, %add3A_105 : i32
      %mul3A_107 = arith.constant 80 : i32
      %mul3A_108 = arith.muli %add3A_106, %mul3A_107 : i32
      %dma_wait3A_109 = tpu.memref_slice %arg7[%mul3A_108] : memref<10000xi32, #tpu.memory_space<vmem>> -> memref<80xi32, #tpu.memory_space<vmem>>
      %dma_wait3A_110 = arith.constant 0 : i32
      %dma_wait3A_111 = arith.constant 0 : i32
      %dma_wait3A_112 = tpu.memref_slice %arg2[%dma_wait3A_110, %dma_wait3A_111] : memref<10000x128xf32, #tpu.memory_space<hbm>> -> memref<10000x128xf32, #tpu.memory_space<hbm>>
      tpu.wait_indirect_dma semaphore(%arg13 : memref<!tpu.dma_semaphore, #tpu.memory_space<semaphore_mem>>) src(%dma_wait3A_112 : memref<10000x128xf32, #tpu.memory_space<hbm>>) dst(%arg10 : memref<80x128xf32, #tpu.memory_space<vmem>>)
      %dma_start3A_113 = arith.constant 0 : i32
      %dma_start3A_114 = tpu.memref_slice %arg8[%add3A_106, %dma_start3A_113] : memref<125x80xi32, #tpu.memory_space<vmem>> -> memref<1x80xi32, #tpu.memory_space<vmem>>
      %dma_start3A_115 = tpu.memref_squeeze %dma_start3A_114 : memref<1x80xi32, #tpu.memory_space<vmem>> -> memref<80xi32, #tpu.memory_space<vmem>>
      %dma_start3A_116 = arith.constant 0 : i32
      %dma_start3A_117 = arith.constant 0 : i32
      %dma_start3A_118 = tpu.memref_slice %arg11[%dma_start3A_116, %dma_start3A_117] : memref<10112x128xf32, #tpu.memory_space<vmem_shared>> -> memref<10112x128xf32, #tpu.memory_space<vmem_shared>>
      tpu.enqueue_indirect_dma source(%arg10 : memref<80x128xf32, #tpu.memory_space<vmem>>) target(%dma_start3A_118 : memref<10112x128xf32, #tpu.memory_space<vmem_shared>>) offsets(%dma_start3A_115 : memref<80xi32, #tpu.memory_space<vmem>>) semaphore(%arg15 : memref<!tpu.dma_semaphore, #tpu.memory_space<semaphore_mem>>) {add = true}
      %dma_wait3A_119 = arith.constant 0 : i32
      %dma_wait3A_120 = tpu.memref_slice %arg8[%add3A_106, %dma_wait3A_119] : memref<125x80xi32, #tpu.memory_space<vmem>> -> memref<1x80xi32, #tpu.memory_space<vmem>>
      %dma_wait3A_121 = tpu.memref_squeeze %dma_wait3A_120 : memref<1x80xi32, #tpu.memory_space<vmem>> -> memref<80xi32, #tpu.memory_space<vmem>>
      %dma_wait3A_122 = arith.constant 0 : i32
      %dma_wait3A_123 = arith.constant 0 : i32
      %dma_wait3A_124 = tpu.memref_slice %arg11[%dma_wait3A_122, %dma_wait3A_123] : memref<10112x128xf32, #tpu.memory_space<vmem_shared>> -> memref<10112x128xf32, #tpu.memory_space<vmem_shared>>
      tpu.wait_indirect_dma semaphore(%arg15 : memref<!tpu.dma_semaphore, #tpu.memory_space<semaphore_mem>>) src(%arg10 : memref<80x128xf32, #tpu.memory_space<vmem>>) dst(%dma_wait3A_124 : memref<10112x128xf32, #tpu.memory_space<vmem_shared>>)
    }
    %scan3A_45 = arith.constant 62 : i32
    %dma_wait3A_46 = arith.constant 9920 : i32
    %dma_wait3A_47 = tpu.memref_slice %arg7[%dma_wait3A_46] : memref<10000xi32, #tpu.memory_space<vmem>> -> memref<80xi32, #tpu.memory_space<vmem>>
    %dma_wait3A_48 = arith.constant 0 : i32
    %dma_wait3A_49 = arith.constant 0 : i32
    %dma_wait3A_50 = tpu.memref_slice %arg2[%dma_wait3A_48, %dma_wait3A_49] : memref<10000x128xf32, #tpu.memory_space<hbm>> -> memref<10000x128xf32, #tpu.memory_space<hbm>>
    tpu.wait_indirect_dma semaphore(%arg12 : memref<!tpu.dma_semaphore, #tpu.memory_space<semaphore_mem>>) src(%dma_wait3A_50 : memref<10000x128xf32, #tpu.memory_space<hbm>>) dst(%arg9 : memref<80x128xf32, #tpu.memory_space<vmem>>)
    %dma_start3A_51 = arith.constant 124 : i32
    %dma_start3A_52 = arith.constant 0 : i32
    %dma_start3A_53 = tpu.memref_slice %arg8[%dma_start3A_51, %dma_start3A_52] : memref<125x80xi32, #tpu.memory_space<vmem>> -> memref<1x80xi32, #tpu.memory_space<vmem>>
    %dma_start3A_54 = tpu.memref_squeeze %dma_start3A_53 : memref<1x80xi32, #tpu.memory_space<vmem>> -> memref<80xi32, #tpu.memory_space<vmem>>
    %dma_start3A_55 = arith.constant 0 : i32
    %dma_start3A_56 = arith.constant 0 : i32
    %dma_start3A_57 = tpu.memref_slice %arg11[%dma_start3A_55, %dma_start3A_56] : memref<10112x128xf32, #tpu.memory_space<vmem_shared>> -> memref<10112x128xf32, #tpu.memory_space<vmem_shared>>
    tpu.enqueue_indirect_dma source(%arg9 : memref<80x128xf32, #tpu.memory_space<vmem>>) target(%dma_start3A_57 : memref<10112x128xf32, #tpu.memory_space<vmem_shared>>) offsets(%dma_start3A_54 : memref<80xi32, #tpu.memory_space<vmem>>) semaphore(%arg14 : memref<!tpu.dma_semaphore, #tpu.memory_space<semaphore_mem>>) {add = true}
    %dma_wait3A_58 = arith.constant 124 : i32
    %dma_wait3A_59 = arith.constant 0 : i32
    %dma_wait3A_60 = tpu.memref_slice %arg8[%dma_wait3A_58, %dma_wait3A_59] : memref<125x80xi32, #tpu.memory_space<vmem>> -> memref<1x80xi32, #tpu.memory_space<vmem>>
    %dma_wait3A_61 = tpu.memref_squeeze %dma_wait3A_60 : memref<1x80xi32, #tpu.memory_space<vmem>> -> memref<80xi32, #tpu.memory_space<vmem>>
    %dma_wait3A_62 = arith.constant 0 : i32
    %dma_wait3A_63 = arith.constant 0 : i32
    %dma_wait3A_64 = tpu.memref_slice %arg11[%dma_wait3A_62, %dma_wait3A_63] : memref<10112x128xf32, #tpu.memory_space<vmem_shared>> -> memref<10112x128xf32, #tpu.memory_space<vmem_shared>>
    tpu.wait_indirect_dma semaphore(%arg14 : memref<!tpu.dma_semaphore, #tpu.memory_space<semaphore_mem>>) src(%arg9 : memref<80x128xf32, #tpu.memory_space<vmem>>) dst(%dma_wait3A_64 : memref<10112x128xf32, #tpu.memory_space<vmem_shared>>)
    %barrier3A_65 = arith.constant 0 : index
    tpu.barrier barrier_id(%barrier3A_65)
    "tpu.region"() ({
      %run_scoped3A = tpu.sem_alloc : memref<!tpu.dma_semaphore, #tpu.memory_space<semaphore_mem>>
      %dma_start3A_66 = arith.constant 0 : i32
      %dma_start3A_67 = arith.constant 0 : i32
      %dma_start3A_68 = tpu.memref_slice %arg6[%arg0, %dma_start3A_66, %dma_start3A_67] : memref<2x10112x128xf32, #tpu.memory_space<hbm>> -> memref<1x10112x128xf32, #tpu.memory_space<hbm>>
      %dma_start3A_69 = tpu.memref_squeeze %dma_start3A_68 : memref<1x10112x128xf32, #tpu.memory_space<hbm>> -> memref<10112x128xf32, #tpu.memory_space<hbm>>
      %dma_start3A_70 = arith.constant 0 : i32
      %dma_start3A_71 = tpu.memref_slice %dma_start3A_69[%mul3A_2, %dma_start3A_70] : memref<10112x128xf32, #tpu.memory_space<hbm>> -> memref<632x128xf32, #tpu.memory_space<hbm>>
      %dma_start3A_72 = arith.constant 0 : i32
      %dma_start3A_73 = tpu.memref_slice %arg11[%mul3A_2, %dma_start3A_72] : memref<10112x128xf32, #tpu.memory_space<vmem_shared>> -> memref<632x128xf32, #tpu.memory_space<vmem_shared>>
      tpu.enqueue_dma source(%dma_start3A_73 : memref<632x128xf32, #tpu.memory_space<vmem_shared>>) target(%dma_start3A_71 : memref<632x128xf32, #tpu.memory_space<hbm>>) target_semaphore(%run_scoped3A : memref<!tpu.dma_semaphore, #tpu.memory_space<semaphore_mem>>)
      %dma_wait3A_74 = arith.constant 0 : i32
      %dma_wait3A_75 = arith.constant 0 : i32
      %dma_wait3A_76 = tpu.memref_slice %arg6[%arg0, %dma_wait3A_74, %dma_wait3A_75] : memref<2x10112x128xf32, #tpu.memory_space<hbm>> -> memref<1x10112x128xf32, #tpu.memory_space<hbm>>
      %dma_wait3A_77 = tpu.memref_squeeze %dma_wait3A_76 : memref<1x10112x128xf32, #tpu.memory_space<hbm>> -> memref<10112x128xf32, #tpu.memory_space<hbm>>
      %dma_wait3A_78 = arith.constant 0 : i32
      %dma_wait3A_79 = tpu.memref_slice %dma_wait3A_77[%mul3A_2, %dma_wait3A_78] : memref<10112x128xf32, #tpu.memory_space<hbm>> -> memref<632x128xf32, #tpu.memory_space<hbm>>
      %dma_wait3A_80 = arith.constant 0 : i32
      %dma_wait3A_81 = tpu.memref_slice %arg11[%mul3A_2, %dma_wait3A_80] : memref<10112x128xf32, #tpu.memory_space<vmem_shared>> -> memref<632x128xf32, #tpu.memory_space<vmem_shared>>
      tpu.wait_dma2 semaphore(%run_scoped3A : memref<!tpu.dma_semaphore, #tpu.memory_space<semaphore_mem>>) src(%dma_wait3A_81 : memref<632x128xf32, #tpu.memory_space<vmem_shared>>) dst(%dma_wait3A_79 : memref<632x128xf32, #tpu.memory_space<hbm>>)
      tpu.yield
    }) : () -> ()
    return
  }
}

#map = affine_map<(d0, d1) -> (0, 0)>
#map1 = affine_map<(d0, d1) -> (0, 0, 0)>
module attributes {stable_mosaic.version = 14 : i64} {
  func.func @seg_sum(%arg0: i32, %arg1: i32, %arg2: memref<10000x128xf32, #tpu.memory_space<hbm>>, %arg3: memref<32x10000xi32, #tpu.memory_space<hbm>>, %arg4: memref<32x125x80xi32, #tpu.memory_space<hbm>>, %arg5: memref<10112x128xf32, #tpu.memory_space<hbm>>, %arg6: memref<2x10112x128xf32, #tpu.memory_space<hbm>>, %arg7: memref<10000xi32, #tpu.memory_space<vmem>>, %arg8: memref<125x80xi32, #tpu.memory_space<vmem>>, %arg9: memref<80x128xf32, #tpu.memory_space<vmem>>, %arg10: memref<80x128xf32, #tpu.memory_space<vmem>>, %arg11: memref<10112x128xf32, #tpu.memory_space<vmem_shared>>, %arg12: memref<!tpu.dma_semaphore, #tpu.memory_space<semaphore_mem>>, %arg13: memref<!tpu.dma_semaphore, #tpu.memory_space<semaphore_mem>>, %arg14: memref<!tpu.dma_semaphore, #tpu.memory_space<semaphore_mem>>, %arg15: memref<!tpu.dma_semaphore, #tpu.memory_space<semaphore_mem>>) attributes {dimension_semantics = [#tpu.dimension_semantics<core_parallel>, #tpu.dimension_semantics<subcore_parallel>], iteration_bounds = array<i64: 2, 16>, scalar_prefetch = 0 : i64, scratch_operands = 9 : i64, tpu.core_type = #tpu.core_type<sc_vector_subcore>, window_params = [{transform_indices = #map}, {transform_indices = #map}, {transform_indices = #map1}, {transform_indices = #map}, {transform_indices = #map1}]} {
    %mul3A = arith.constant 2 : i32
    %mul3A_0 = arith.muli %arg1, %mul3A : i32
    %add3A = arith.addi %mul3A_0, %arg0 : i32
    %mul3A_1 = arith.constant 632 : i32
    %mul3A_2 = arith.muli %arg1, %mul3A_1 : i32
    %dma_start3A = arith.constant 0 : i32
    %dma_start3A_3 = tpu.memref_slice %arg11[%mul3A_2, %dma_start3A] : memref<10112x128xf32, #tpu.memory_space<vmem_shared>> -> memref<632x128xf32, #tpu.memory_space<vmem_shared>>
    %dma_start3A_4 = arith.constant 0 : i32
    %dma_start3A_5 = tpu.memref_slice %arg5[%mul3A_2, %dma_start3A_4] : memref<10112x128xf32, #tpu.memory_space<hbm>> -> memref<632x128xf32, #tpu.memory_space<hbm>>
    tpu.enqueue_dma source(%dma_start3A_5 : memref<632x128xf32, #tpu.memory_space<hbm>>) target(%dma_start3A_3 : memref<632x128xf32, #tpu.memory_space<vmem_shared>>) target_semaphore(%arg12 : memref<!tpu.dma_semaphore, #tpu.memory_space<semaphore_mem>>)
    %dma_start3A_6 = arith.constant 0 : i32
    %dma_start3A_7 = tpu.memref_slice %arg3[%add3A, %dma_start3A_6] : memref<32x10000xi32, #tpu.memory_space<hbm>> -> memref<1x10000xi32, #tpu.memory_space<hbm>>
    %dma_start3A_8 = tpu.memref_squeeze %dma_start3A_7 : memref<1x10000xi32, #tpu.memory_space<hbm>> -> memref<10000xi32, #tpu.memory_space<hbm>>
    %dma_start3A_9 = arith.constant 0 : i32
    %dma_start3A_10 = tpu.memref_slice %arg3[%add3A, %dma_start3A_9] : memref<32x10000xi32, #tpu.memory_space<hbm>> -> memref<1x10000xi32, #tpu.memory_space<hbm>>
    %dma_start3A_11 = tpu.memref_squeeze %dma_start3A_10 : memref<1x10000xi32, #tpu.memory_space<hbm>> -> memref<10000xi32, #tpu.memory_space<hbm>>
    tpu.enqueue_dma source(%dma_start3A_11 : memref<10000xi32, #tpu.memory_space<hbm>>) target(%arg7 : memref<10000xi32, #tpu.memory_space<vmem>>) target_semaphore(%arg13 : memref<!tpu.dma_semaphore, #tpu.memory_space<semaphore_mem>>)
    %dma_start3A_12 = arith.constant 0 : i32
    %dma_start3A_13 = arith.constant 0 : i32
    %dma_start3A_14 = tpu.memref_slice %arg4[%add3A, %dma_start3A_12, %dma_start3A_13] : memref<32x125x80xi32, #tpu.memory_space<hbm>> -> memref<1x125x80xi32, #tpu.memory_space<hbm>>
    %dma_start3A_15 = tpu.memref_squeeze %dma_start3A_14 : memref<1x125x80xi32, #tpu.memory_space<hbm>> -> memref<125x80xi32, #tpu.memory_space<hbm>>
    %dma_start3A_16 = arith.constant 0 : i32
    %dma_start3A_17 = arith.constant 0 : i32
    %dma_start3A_18 = tpu.memref_slice %arg4[%add3A, %dma_start3A_16, %dma_start3A_17] : memref<32x125x80xi32, #tpu.memory_space<hbm>> -> memref<1x125x80xi32, #tpu.memory_space<hbm>>
    %dma_start3A_19 = tpu.memref_squeeze %dma_start3A_18 : memref<1x125x80xi32, #tpu.memory_space<hbm>> -> memref<125x80xi32, #tpu.memory_space<hbm>>
    tpu.enqueue_dma source(%dma_start3A_19 : memref<125x80xi32, #tpu.memory_space<hbm>>) target(%arg8 : memref<125x80xi32, #tpu.memory_space<vmem>>) target_semaphore(%arg14 : memref<!tpu.dma_semaphore, #tpu.memory_space<semaphore_mem>>)
    %dma_wait3A = arith.constant 0 : i32
    %dma_wait3A_20 = tpu.memref_slice %arg11[%mul3A_2, %dma_wait3A] : memref<10112x128xf32, #tpu.memory_space<vmem_shared>> -> memref<632x128xf32, #tpu.memory_space<vmem_shared>>
    %dma_wait3A_21 = arith.constant 0 : i32
    %dma_wait3A_22 = tpu.memref_slice %arg5[%mul3A_2, %dma_wait3A_21] : memref<10112x128xf32, #tpu.memory_space<hbm>> -> memref<632x128xf32, #tpu.memory_space<hbm>>
    tpu.wait_dma2 semaphore(%arg12 : memref<!tpu.dma_semaphore, #tpu.memory_space<semaphore_mem>>) src(%dma_wait3A_22 : memref<632x128xf32, #tpu.memory_space<hbm>>) dst(%dma_wait3A_20 : memref<632x128xf32, #tpu.memory_space<vmem_shared>>)
    %dma_wait3A_23 = arith.constant 0 : i32
    %dma_wait3A_24 = tpu.memref_slice %arg3[%add3A, %dma_wait3A_23] : memref<32x10000xi32, #tpu.memory_space<hbm>> -> memref<1x10000xi32, #tpu.memory_space<hbm>>
    %dma_wait3A_25 = tpu.memref_squeeze %dma_wait3A_24 : memref<1x10000xi32, #tpu.memory_space<hbm>> -> memref<10000xi32, #tpu.memory_space<hbm>>
    %dma_wait3A_26 = arith.constant 0 : i32
    %dma_wait3A_27 = tpu.memref_slice %arg3[%add3A, %dma_wait3A_26] : memref<32x10000xi32, #tpu.memory_space<hbm>> -> memref<1x10000xi32, #tpu.memory_space<hbm>>
    %dma_wait3A_28 = tpu.memref_squeeze %dma_wait3A_27 : memref<1x10000xi32, #tpu.memory_space<hbm>> -> memref<10000xi32, #tpu.memory_space<hbm>>
    tpu.wait_dma2 semaphore(%arg13 : memref<!tpu.dma_semaphore, #tpu.memory_space<semaphore_mem>>) src(%dma_wait3A_28 : memref<10000xi32, #tpu.memory_space<hbm>>) dst(%arg7 : memref<10000xi32, #tpu.memory_space<vmem>>)
    %dma_wait3A_29 = arith.constant 0 : i32
    %dma_wait3A_30 = arith.constant 0 : i32
    %dma_wait3A_31 = tpu.memref_slice %arg4[%add3A, %dma_wait3A_29, %dma_wait3A_30] : memref<32x125x80xi32, #tpu.memory_space<hbm>> -> memref<1x125x80xi32, #tpu.memory_space<hbm>>
    %dma_wait3A_32 = tpu.memref_squeeze %dma_wait3A_31 : memref<1x125x80xi32, #tpu.memory_space<hbm>> -> memref<125x80xi32, #tpu.memory_space<hbm>>
    %dma_wait3A_33 = arith.constant 0 : i32
    %dma_wait3A_34 = arith.constant 0 : i32
    %dma_wait3A_35 = tpu.memref_slice %arg4[%add3A, %dma_wait3A_33, %dma_wait3A_34] : memref<32x125x80xi32, #tpu.memory_space<hbm>> -> memref<1x125x80xi32, #tpu.memory_space<hbm>>
    %dma_wait3A_36 = tpu.memref_squeeze %dma_wait3A_35 : memref<1x125x80xi32, #tpu.memory_space<hbm>> -> memref<125x80xi32, #tpu.memory_space<hbm>>
    tpu.wait_dma2 semaphore(%arg14 : memref<!tpu.dma_semaphore, #tpu.memory_space<semaphore_mem>>) src(%dma_wait3A_36 : memref<125x80xi32, #tpu.memory_space<hbm>>) dst(%arg8 : memref<125x80xi32, #tpu.memory_space<vmem>>)
    %barrier3A = arith.constant 0 : index
    tpu.barrier barrier_id(%barrier3A)
    %dma_start3A_37 = arith.constant 0 : i32
    %dma_start3A_38 = tpu.memref_slice %arg7[%dma_start3A_37] : memref<10000xi32, #tpu.memory_space<vmem>> -> memref<80xi32, #tpu.memory_space<vmem>>
    %dma_start3A_39 = arith.constant 0 : i32
    %dma_start3A_40 = arith.constant 0 : i32
    %dma_start3A_41 = tpu.memref_slice %arg2[%dma_start3A_39, %dma_start3A_40] : memref<10000x128xf32, #tpu.memory_space<hbm>> -> memref<10000x128xf32, #tpu.memory_space<hbm>>
    tpu.enqueue_indirect_dma source(%dma_start3A_41 : memref<10000x128xf32, #tpu.memory_space<hbm>>) target(%arg9 : memref<80x128xf32, #tpu.memory_space<vmem>>) offsets(%dma_start3A_38 : memref<80xi32, #tpu.memory_space<vmem>>) semaphore(%arg12 : memref<!tpu.dma_semaphore, #tpu.memory_space<semaphore_mem>>)
    %scan3A = arith.constant 0 : i32
    %scan3A_42 = arith.constant 62 : i32
    %scan3A_43 = arith.addi %scan3A, %scan3A_42 : i32
    %scan3A_44 = arith.constant 1 : i32
    scf.for %scan3A_66 = %scan3A to %scan3A_43 step %scan3A_44  : i32 {
      %mul3A_67 = arith.constant 2 : i32
      %mul3A_68 = arith.muli %scan3A_66, %mul3A_67 : i32
      %add3A_69 = arith.constant 0 : i32
      %add3A_70 = arith.addi %add3A_69, %mul3A_68 : i32
      %add3A_71 = arith.constant 1 : i32
      %add3A_72 = arith.addi %add3A_70, %add3A_71 : i32
      %mul3A_73 = arith.constant 80 : i32
      %mul3A_74 = arith.muli %add3A_72, %mul3A_73 : i32
      %dma_start3A_75 = tpu.memref_slice %arg7[%mul3A_74] : memref<10000xi32, #tpu.memory_space<vmem>> -> memref<80xi32, #tpu.memory_space<vmem>>
      %dma_start3A_76 = arith.constant 0 : i32
      %dma_start3A_77 = arith.constant 0 : i32
      %dma_start3A_78 = tpu.memref_slice %arg2[%dma_start3A_76, %dma_start3A_77] : memref<10000x128xf32, #tpu.memory_space<hbm>> -> memref<10000x128xf32, #tpu.memory_space<hbm>>
      tpu.enqueue_indirect_dma source(%dma_start3A_78 : memref<10000x128xf32, #tpu.memory_space<hbm>>) target(%arg10 : memref<80x128xf32, #tpu.memory_space<vmem>>) offsets(%dma_start3A_75 : memref<80xi32, #tpu.memory_space<vmem>>) semaphore(%arg13 : memref<!tpu.dma_semaphore, #tpu.memory_space<semaphore_mem>>)
      %mul3A_79 = arith.constant 80 : i32
      %mul3A_80 = arith.muli %add3A_70, %mul3A_79 : i32
      %dma_wait3A_81 = tpu.memref_slice %arg7[%mul3A_80] : memref<10000xi32, #tpu.memory_space<vmem>> -> memref<80xi32, #tpu.memory_space<vmem>>
      %dma_wait3A_82 = arith.constant 0 : i32
      %dma_wait3A_83 = arith.constant 0 : i32
      %dma_wait3A_84 = tpu.memref_slice %arg2[%dma_wait3A_82, %dma_wait3A_83] : memref<10000x128xf32, #tpu.memory_space<hbm>> -> memref<10000x128xf32, #tpu.memory_space<hbm>>
      tpu.wait_indirect_dma semaphore(%arg12 : memref<!tpu.dma_semaphore, #tpu.memory_space<semaphore_mem>>) src(%dma_wait3A_84 : memref<10000x128xf32, #tpu.memory_space<hbm>>) dst(%arg9 : memref<80x128xf32, #tpu.memory_space<vmem>>)
      %dma_start3A_85 = arith.constant 0 : i32
      %dma_start3A_86 = tpu.memref_slice %arg8[%add3A_70, %dma_start3A_85] : memref<125x80xi32, #tpu.memory_space<vmem>> -> memref<1x80xi32, #tpu.memory_space<vmem>>
      %dma_start3A_87 = tpu.memref_squeeze %dma_start3A_86 : memref<1x80xi32, #tpu.memory_space<vmem>> -> memref<80xi32, #tpu.memory_space<vmem>>
      %dma_start3A_88 = arith.constant 0 : i32
      %dma_start3A_89 = arith.constant 0 : i32
      %dma_start3A_90 = tpu.memref_slice %arg11[%dma_start3A_88, %dma_start3A_89] : memref<10112x128xf32, #tpu.memory_space<vmem_shared>> -> memref<10112x128xf32, #tpu.memory_space<vmem_shared>>
      tpu.enqueue_indirect_dma source(%arg9 : memref<80x128xf32, #tpu.memory_space<vmem>>) target(%dma_start3A_90 : memref<10112x128xf32, #tpu.memory_space<vmem_shared>>) offsets(%dma_start3A_87 : memref<80xi32, #tpu.memory_space<vmem>>) semaphore(%arg14 : memref<!tpu.dma_semaphore, #tpu.memory_space<semaphore_mem>>) {add = true}
      %dma_wait3A_91 = arith.constant 0 : i32
      %dma_wait3A_92 = tpu.memref_slice %arg8[%add3A_70, %dma_wait3A_91] : memref<125x80xi32, #tpu.memory_space<vmem>> -> memref<1x80xi32, #tpu.memory_space<vmem>>
      %dma_wait3A_93 = tpu.memref_squeeze %dma_wait3A_92 : memref<1x80xi32, #tpu.memory_space<vmem>> -> memref<80xi32, #tpu.memory_space<vmem>>
      %dma_wait3A_94 = arith.constant 0 : i32
      %dma_wait3A_95 = arith.constant 0 : i32
      %dma_wait3A_96 = tpu.memref_slice %arg11[%dma_wait3A_94, %dma_wait3A_95] : memref<10112x128xf32, #tpu.memory_space<vmem_shared>> -> memref<10112x128xf32, #tpu.memory_space<vmem_shared>>
      tpu.wait_indirect_dma semaphore(%arg14 : memref<!tpu.dma_semaphore, #tpu.memory_space<semaphore_mem>>) src(%arg9 : memref<80x128xf32, #tpu.memory_space<vmem>>) dst(%dma_wait3A_96 : memref<10112x128xf32, #tpu.memory_space<vmem_shared>>)
      %add3A_97 = arith.constant 2 : i32
      %add3A_98 = arith.addi %add3A_70, %add3A_97 : i32
      %mul3A_99 = arith.constant 80 : i32
      %mul3A_100 = arith.muli %add3A_98, %mul3A_99 : i32
      %dma_start3A_101 = tpu.memref_slice %arg7[%mul3A_100] : memref<10000xi32, #tpu.memory_space<vmem>> -> memref<80xi32, #tpu.memory_space<vmem>>
      %dma_start3A_102 = arith.constant 0 : i32
      %dma_start3A_103 = arith.constant 0 : i32
      %dma_start3A_104 = tpu.memref_slice %arg2[%dma_start3A_102, %dma_start3A_103] : memref<10000x128xf32, #tpu.memory_space<hbm>> -> memref<10000x128xf32, #tpu.memory_space<hbm>>
      tpu.enqueue_indirect_dma source(%dma_start3A_104 : memref<10000x128xf32, #tpu.memory_space<hbm>>) target(%arg9 : memref<80x128xf32, #tpu.memory_space<vmem>>) offsets(%dma_start3A_101 : memref<80xi32, #tpu.memory_space<vmem>>) semaphore(%arg12 : memref<!tpu.dma_semaphore, #tpu.memory_space<semaphore_mem>>)
      %add3A_105 = arith.constant 1 : i32
      %add3A_106 = arith.addi %add3A_70, %add3A_105 : i32
      %mul3A_107 = arith.constant 80 : i32
      %mul3A_108 = arith.muli %add3A_106, %mul3A_107 : i32
      %dma_wait3A_109 = tpu.memref_slice %arg7[%mul3A_108] : memref<10000xi32, #tpu.memory_space<vmem>> -> memref<80xi32, #tpu.memory_space<vmem>>
      %dma_wait3A_110 = arith.constant 0 : i32
      %dma_wait3A_111 = arith.constant 0 : i32
      %dma_wait3A_112 = tpu.memref_slice %arg2[%dma_wait3A_110, %dma_wait3A_111] : memref<10000x128xf32, #tpu.memory_space<hbm>> -> memref<10000x128xf32, #tpu.memory_space<hbm>>
      tpu.wait_indirect_dma semaphore(%arg13 : memref<!tpu.dma_semaphore, #tpu.memory_space<semaphore_mem>>) src(%dma_wait3A_112 : memref<10000x128xf32, #tpu.memory_space<hbm>>) dst(%arg10 : memref<80x128xf32, #tpu.memory_space<vmem>>)
      %dma_start3A_113 = arith.constant 0 : i32
      %dma_start3A_114 = tpu.memref_slice %arg8[%add3A_106, %dma_start3A_113] : memref<125x80xi32, #tpu.memory_space<vmem>> -> memref<1x80xi32, #tpu.memory_space<vmem>>
      %dma_start3A_115 = tpu.memref_squeeze %dma_start3A_114 : memref<1x80xi32, #tpu.memory_space<vmem>> -> memref<80xi32, #tpu.memory_space<vmem>>
      %dma_start3A_116 = arith.constant 0 : i32
      %dma_start3A_117 = arith.constant 0 : i32
      %dma_start3A_118 = tpu.memref_slice %arg11[%dma_start3A_116, %dma_start3A_117] : memref<10112x128xf32, #tpu.memory_space<vmem_shared>> -> memref<10112x128xf32, #tpu.memory_space<vmem_shared>>
      tpu.enqueue_indirect_dma source(%arg10 : memref<80x128xf32, #tpu.memory_space<vmem>>) target(%dma_start3A_118 : memref<10112x128xf32, #tpu.memory_space<vmem_shared>>) offsets(%dma_start3A_115 : memref<80xi32, #tpu.memory_space<vmem>>) semaphore(%arg15 : memref<!tpu.dma_semaphore, #tpu.memory_space<semaphore_mem>>) {add = true}
      %dma_wait3A_119 = arith.constant 0 : i32
      %dma_wait3A_120 = tpu.memref_slice %arg8[%add3A_106, %dma_wait3A_119] : memref<125x80xi32, #tpu.memory_space<vmem>> -> memref<1x80xi32, #tpu.memory_space<vmem>>
      %dma_wait3A_121 = tpu.memref_squeeze %dma_wait3A_120 : memref<1x80xi32, #tpu.memory_space<vmem>> -> memref<80xi32, #tpu.memory_space<vmem>>
      %dma_wait3A_122 = arith.constant 0 : i32
      %dma_wait3A_123 = arith.constant 0 : i32
      %dma_wait3A_124 = tpu.memref_slice %arg11[%dma_wait3A_122, %dma_wait3A_123] : memref<10112x128xf32, #tpu.memory_space<vmem_shared>> -> memref<10112x128xf32, #tpu.memory_space<vmem_shared>>
      tpu.wait_indirect_dma semaphore(%arg15 : memref<!tpu.dma_semaphore, #tpu.memory_space<semaphore_mem>>) src(%arg10 : memref<80x128xf32, #tpu.memory_space<vmem>>) dst(%dma_wait3A_124 : memref<10112x128xf32, #tpu.memory_space<vmem_shared>>)
    }
    %scan3A_45 = arith.constant 62 : i32
    %dma_wait3A_46 = arith.constant 9920 : i32
    %dma_wait3A_47 = tpu.memref_slice %arg7[%dma_wait3A_46] : memref<10000xi32, #tpu.memory_space<vmem>> -> memref<80xi32, #tpu.memory_space<vmem>>
    %dma_wait3A_48 = arith.constant 0 : i32
    %dma_wait3A_49 = arith.constant 0 : i32
    %dma_wait3A_50 = tpu.memref_slice %arg2[%dma_wait3A_48, %dma_wait3A_49] : memref<10000x128xf32, #tpu.memory_space<hbm>> -> memref<10000x128xf32, #tpu.memory_space<hbm>>
    tpu.wait_indirect_dma semaphore(%arg12 : memref<!tpu.dma_semaphore, #tpu.memory_space<semaphore_mem>>) src(%dma_wait3A_50 : memref<10000x128xf32, #tpu.memory_space<hbm>>) dst(%arg9 : memref<80x128xf32, #tpu.memory_space<vmem>>)
    %dma_start3A_51 = arith.constant 124 : i32
    %dma_start3A_52 = arith.constant 0 : i32
    %dma_start3A_53 = tpu.memref_slice %arg8[%dma_start3A_51, %dma_start3A_52] : memref<125x80xi32, #tpu.memory_space<vmem>> -> memref<1x80xi32, #tpu.memory_space<vmem>>
    %dma_start3A_54 = tpu.memref_squeeze %dma_start3A_53 : memref<1x80xi32, #tpu.memory_space<vmem>> -> memref<80xi32, #tpu.memory_space<vmem>>
    %dma_start3A_55 = arith.constant 0 : i32
    %dma_start3A_56 = arith.constant 0 : i32
    %dma_start3A_57 = tpu.memref_slice %arg11[%dma_start3A_55, %dma_start3A_56] : memref<10112x128xf32, #tpu.memory_space<vmem_shared>> -> memref<10112x128xf32, #tpu.memory_space<vmem_shared>>
    tpu.enqueue_indirect_dma source(%arg9 : memref<80x128xf32, #tpu.memory_space<vmem>>) target(%dma_start3A_57 : memref<10112x128xf32, #tpu.memory_space<vmem_shared>>) offsets(%dma_start3A_54 : memref<80xi32, #tpu.memory_space<vmem>>) semaphore(%arg14 : memref<!tpu.dma_semaphore, #tpu.memory_space<semaphore_mem>>) {add = true}
    %dma_wait3A_58 = arith.constant 124 : i32
    %dma_wait3A_59 = arith.constant 0 : i32
    %dma_wait3A_60 = tpu.memref_slice %arg8[%dma_wait3A_58, %dma_wait3A_59] : memref<125x80xi32, #tpu.memory_space<vmem>> -> memref<1x80xi32, #tpu.memory_space<vmem>>
    %dma_wait3A_61 = tpu.memref_squeeze %dma_wait3A_60 : memref<1x80xi32, #tpu.memory_space<vmem>> -> memref<80xi32, #tpu.memory_space<vmem>>
    %dma_wait3A_62 = arith.constant 0 : i32
    %dma_wait3A_63 = arith.constant 0 : i32
    %dma_wait3A_64 = tpu.memref_slice %arg11[%dma_wait3A_62, %dma_wait3A_63] : memref<10112x128xf32, #tpu.memory_space<vmem_shared>> -> memref<10112x128xf32, #tpu.memory_space<vmem_shared>>
    tpu.wait_indirect_dma semaphore(%arg14 : memref<!tpu.dma_semaphore, #tpu.memory_space<semaphore_mem>>) src(%arg9 : memref<80x128xf32, #tpu.memory_space<vmem>>) dst(%dma_wait3A_64 : memref<10112x128xf32, #tpu.memory_space<vmem_shared>>)
    %barrier3A_65 = arith.constant 0 : index
    tpu.barrier barrier_id(%barrier3A_65)
    "tpu.region"() ({
      %run_scoped3A = tpu.sem_alloc : memref<!tpu.dma_semaphore, #tpu.memory_space<semaphore_mem>>
      %dma_start3A_66 = arith.constant 0 : i32
      %dma_start3A_67 = arith.constant 0 : i32
      %dma_start3A_68 = tpu.memref_slice %arg6[%arg0, %dma_start3A_66, %dma_start3A_67] : memref<2x10112x128xf32, #tpu.memory_space<hbm>> -> memref<1x10112x128xf32, #tpu.memory_space<hbm>>
      %dma_start3A_69 = tpu.memref_squeeze %dma_start3A_68 : memref<1x10112x128xf32, #tpu.memory_space<hbm>> -> memref<10112x128xf32, #tpu.memory_space<hbm>>
      %dma_start3A_70 = arith.constant 0 : i32
      %dma_start3A_71 = tpu.memref_slice %dma_start3A_69[%mul3A_2, %dma_start3A_70] : memref<10112x128xf32, #tpu.memory_space<hbm>> -> memref<632x128xf32, #tpu.memory_space<hbm>>
      %dma_start3A_72 = arith.constant 0 : i32
      %dma_start3A_73 = tpu.memref_slice %arg11[%mul3A_2, %dma_start3A_72] : memref<10112x128xf32, #tpu.memory_space<vmem_shared>> -> memref<632x128xf32, #tpu.memory_space<vmem_shared>>
      tpu.enqueue_dma source(%dma_start3A_73 : memref<632x128xf32, #tpu.memory_space<vmem_shared>>) target(%dma_start3A_71 : memref<632x128xf32, #tpu.memory_space<hbm>>) target_semaphore(%run_scoped3A : memref<!tpu.dma_semaphore, #tpu.memory_space<semaphore_mem>>)
      %dma_wait3A_74 = arith.constant 0 : i32
      %dma_wait3A_75 = arith.constant 0 : i32
      %dma_wait3A_76 = tpu.memref_slice %arg6[%arg0, %dma_wait3A_74, %dma_wait3A_75] : memref<2x10112x128xf32, #tpu.memory_space<hbm>> -> memref<1x10112x128xf32, #tpu.memory_space<hbm>>
      %dma_wait3A_77 = tpu.memref_squeeze %dma_wait3A_76 : memref<1x10112x128xf32, #tpu.memory_space<hbm>> -> memref<10112x128xf32, #tpu.memory_space<hbm>>
      %dma_wait3A_78 = arith.constant 0 : i32
      %dma_wait3A_79 = tpu.memref_slice %dma_wait3A_77[%mul3A_2, %dma_wait3A_78] : memref<10112x128xf32, #tpu.memory_space<hbm>> -> memref<632x128xf32, #tpu.memory_space<hbm>>
      %dma_wait3A_80 = arith.constant 0 : i32
      %dma_wait3A_81 = tpu.memref_slice %arg11[%mul3A_2, %dma_wait3A_80] : memref<10112x128xf32, #tpu.memory_space<vmem_shared>> -> memref<632x128xf32, #tpu.memory_space<vmem_shared>>
      tpu.wait_dma2 semaphore(%run_scoped3A : memref<!tpu.dma_semaphore, #tpu.memory_space<semaphore_mem>>) src(%dma_wait3A_81 : memref<632x128xf32, #tpu.memory_space<vmem_shared>>) dst(%dma_wait3A_79 : memref<632x128xf32, #tpu.memory_space<hbm>>)
      tpu.yield
    }) : () -> ()
    return
  }
}

module attributes {stable_mosaic.version = 14 : i64} {
  func.func @body(%arg0: i32, %arg1: memref<2000x128xf32, #tpu.memory_space<vmem>>, %arg2: memref<128x128xf32, #tpu.memory_space<vmem>>, %arg3: memref<1x128xf32, #tpu.memory_space<vmem>>, %arg4: memref<2000x128xf32, #tpu.memory_space<vmem>>) attributes {dimension_semantics = [#tpu.dimension_semantics<arbitrary>], iteration_bounds = array<i64: 5>, scalar_prefetch = 0 : i64, scratch_operands = 0 : i64, tpu.core_type = #tpu.core_type<tc>, window_params = [{transform_indices = @transform_0, window_bounds = array<i64: 2000, 128>}, {pipeline_mode = #tpu.pipeline_mode<synchronous>, transform_indices = @transform_1, window_bounds = array<i64: 128, 128>}, {pipeline_mode = #tpu.pipeline_mode<synchronous>, transform_indices = @transform_2, window_bounds = array<i64: 1, 128>}, {transform_indices = @transform_3, window_bounds = array<i64: 2000, 128>}]} {
    %get3A = arith.constant 0 : index
    %get3A_0 = arith.constant 0 : index
    %get3A_1 = vector.load %arg1[%get3A, %get3A_0] : memref<2000x128xf32, #tpu.memory_space<vmem>>, vector<2000x128xf32>
    %get3A_2 = arith.constant 0 : index
    %get3A_3 = arith.constant 0 : index
    %get3A_4 = vector.load %arg2[%get3A_2, %get3A_3] : memref<128x128xf32, #tpu.memory_space<vmem>>, vector<128x128xf32>
    %dot_general3A = arith.constant dense<0.000000e+00> : vector<2000x128xf32>
    %dot_general3A_5 = tpu.matmul %get3A_1, %get3A_4, %dot_general3A {dimension_numbers = #tpu.dot_dimension_numbers<[1], [0], [0], [1], [0, 0, 1, 1], [], []>, transpose_lhs_hint = false} : vector<2000x128xf32>, vector<128x128xf32>, vector<2000x128xf32> -> vector<2000x128xf32>
    %get3A_6 = arith.constant 0 : index
    %get3A_7 = arith.constant 0 : index
    %get3A_8 = vector.load %arg3[%get3A_6, %get3A_7] : memref<1x128xf32, #tpu.memory_space<vmem>>, vector<1x128xf32>
    %add3A = vector.broadcast %get3A_8 : vector<1x128xf32> to vector<2000x128xf32>
    %add3A_9 = arith.addf %dot_general3A_5, %add3A : vector<2000x128xf32>
    %swap3A = arith.constant 0 : index
    %swap3A_10 = arith.constant 0 : index
    %swap3A_11 = vector.load %arg4[%swap3A, %swap3A_10] : memref<2000x128xf32, #tpu.memory_space<vmem>>, vector<2000x128xf32>
    tpu.vector_store %arg4[%swap3A, %swap3A_10], %add3A_9 {strides = array<i32>} : memref<2000x128xf32, #tpu.memory_space<vmem>>, vector<2000x128xf32>,
    return
  }
  func.func @transform_0(%arg0: i32) -> (i32, i32) {
    %c0_i32 = arith.constant 0 : i32
    %c0_i32_0 = arith.constant 0 : i32
    return %arg0, %c0_i32 : i32, i32
  }
  func.func @transform_1(%arg0: i32) -> (i32, i32) {
    %c0_i32 = arith.constant 0 : i32
    %c0_i32_0 = arith.constant 0 : i32
    %c0_i32_1 = arith.constant 0 : i32
    return %c0_i32, %c0_i32_0 : i32, i32
  }
  func.func @transform_2(%arg0: i32) -> (i32, i32) {
    %c0_i32 = arith.constant 0 : i32
    %c0_i32_0 = arith.constant 0 : i32
    %c0_i32_1 = arith.constant 0 : i32
    return %c0_i32, %c0_i32_0 : i32, i32
  }
  func.func @transform_3(%arg0: i32) -> (i32, i32) {
    %c0_i32 = arith.constant 0 : i32
    %c0_i32_0 = arith.constant 0 : i32
    return %arg0, %c0_i32 : i32, i32
  }
}

module attributes {stable_mosaic.version = 14 : i64} {
  func.func @body(%arg0: i32, %arg1: memref<2000x128xf32, #tpu.memory_space<vmem>>, %arg2: memref<2000x128xf32, #tpu.memory_space<vmem>>, %arg3: memref<2000x128xf32, #tpu.memory_space<vmem>>, %arg4: memref<128x128xf32, #tpu.memory_space<vmem>>, %arg5: memref<2000x128xf32, #tpu.memory_space<vmem>>) attributes {dimension_semantics = [#tpu.dimension_semantics<arbitrary>], iteration_bounds = array<i64: 5>, scalar_prefetch = 0 : i64, scratch_operands = 0 : i64, tpu.core_type = #tpu.core_type<tc>, window_params = [{transform_indices = @transform_0, window_bounds = array<i64: 2000, 128>}, {transform_indices = @transform_1, window_bounds = array<i64: 2000, 128>}, {transform_indices = @transform_2, window_bounds = array<i64: 2000, 128>}, {pipeline_mode = #tpu.pipeline_mode<synchronous>, transform_indices = @transform_3, window_bounds = array<i64: 128, 128>}, {transform_indices = @transform_4, window_bounds = array<i64: 2000, 128>}]} {
    %get3A = arith.constant 0 : index
    %get3A_0 = arith.constant 0 : index
    %get3A_1 = vector.load %arg1[%get3A, %get3A_0] : memref<2000x128xf32, #tpu.memory_space<vmem>>, vector<2000x128xf32>
    %get3A_2 = arith.constant 0 : index
    %get3A_3 = arith.constant 0 : index
    %get3A_4 = vector.load %arg2[%get3A_2, %get3A_3] : memref<2000x128xf32, #tpu.memory_space<vmem>>, vector<2000x128xf32>
    %add3A = arith.addf %get3A_1, %get3A_4 : vector<2000x128xf32>
    %get3A_5 = arith.constant 0 : index
    %get3A_6 = arith.constant 0 : index
    %get3A_7 = vector.load %arg4[%get3A_5, %get3A_6] : memref<128x128xf32, #tpu.memory_space<vmem>>, vector<128x128xf32>
    %dot_general3A = arith.constant dense<0.000000e+00> : vector<2000x128xf32>
    %dot_general3A_8 = tpu.matmul %add3A, %get3A_7, %dot_general3A {dimension_numbers = #tpu.dot_dimension_numbers<[1], [0], [0], [1], [0, 0, 1, 1], [], []>, transpose_lhs_hint = false} : vector<2000x128xf32>, vector<128x128xf32>, vector<2000x128xf32> -> vector<2000x128xf32>
    %get3A_9 = arith.constant 0 : index
    %get3A_10 = arith.constant 0 : index
    %get3A_11 = vector.load %arg3[%get3A_9, %get3A_10] : memref<2000x128xf32, #tpu.memory_space<vmem>>, vector<2000x128xf32>
    %add3A_12 = arith.addf %dot_general3A_8, %get3A_11 : vector<2000x128xf32>
    %max3A = arith.constant 0.000000e+00 : f32
    %max3A_13 = vector.broadcast %max3A : f32 to vector<2000x128xf32>
    %max3A_14 = arith.maximumf %add3A_12, %max3A_13 : vector<2000x128xf32>
    %swap3A = arith.constant 0 : index
    %swap3A_15 = arith.constant 0 : index
    %swap3A_16 = vector.load %arg5[%swap3A, %swap3A_15] : memref<2000x128xf32, #tpu.memory_space<vmem>>, vector<2000x128xf32>
    tpu.vector_store %arg5[%swap3A, %swap3A_15], %max3A_14 {strides = array<i32>} : memref<2000x128xf32, #tpu.memory_space<vmem>>, vector<2000x128xf32>,
    return
  }
  func.func @transform_0(%arg0: i32) -> (i32, i32) {
    %c0_i32 = arith.constant 0 : i32
    %c0_i32_0 = arith.constant 0 : i32
    return %arg0, %c0_i32 : i32, i32
  }
  func.func @transform_1(%arg0: i32) -> (i32, i32) {
    %c0_i32 = arith.constant 0 : i32
    %c0_i32_0 = arith.constant 0 : i32
    return %arg0, %c0_i32 : i32, i32
  }
  func.func @transform_2(%arg0: i32) -> (i32, i32) {
    %c0_i32 = arith.constant 0 : i32
    %c0_i32_0 = arith.constant 0 : i32
    return %arg0, %c0_i32 : i32, i32
  }
  func.func @transform_3(%arg0: i32) -> (i32, i32) {
    %c0_i32 = arith.constant 0 : i32
    %c0_i32_0 = arith.constant 0 : i32
    %c0_i32_1 = arith.constant 0 : i32
    return %c0_i32, %c0_i32_0 : i32, i32
  }
  func.func @transform_4(%arg0: i32) -> (i32, i32) {
    %c0_i32 = arith.constant 0 : i32
    %c0_i32_0 = arith.constant 0 : i32
    return %arg0, %c0_i32 : i32, i32
  }
}

module attributes {stable_mosaic.version = 14 : i64} {
  func.func @body(%arg0: i32, %arg1: memref<2000x128xf32, #tpu.memory_space<vmem>>, %arg2: memref<2000x128xf32, #tpu.memory_space<vmem>>, %arg3: memref<2000x128xf32, #tpu.memory_space<vmem>>, %arg4: memref<128x128xf32, #tpu.memory_space<vmem>>, %arg5: memref<2000x128xf32, #tpu.memory_space<vmem>>) attributes {dimension_semantics = [#tpu.dimension_semantics<arbitrary>], iteration_bounds = array<i64: 5>, scalar_prefetch = 0 : i64, scratch_operands = 0 : i64, tpu.core_type = #tpu.core_type<tc>, window_params = [{transform_indices = @transform_0, window_bounds = array<i64: 2000, 128>}, {transform_indices = @transform_1, window_bounds = array<i64: 2000, 128>}, {transform_indices = @transform_2, window_bounds = array<i64: 2000, 128>}, {pipeline_mode = #tpu.pipeline_mode<synchronous>, transform_indices = @transform_3, window_bounds = array<i64: 128, 128>}, {transform_indices = @transform_4, window_bounds = array<i64: 2000, 128>}]} {
    %get3A = arith.constant 0 : index
    %get3A_0 = arith.constant 0 : index
    %get3A_1 = vector.load %arg1[%get3A, %get3A_0] : memref<2000x128xf32, #tpu.memory_space<vmem>>, vector<2000x128xf32>
    %get3A_2 = arith.constant 0 : index
    %get3A_3 = arith.constant 0 : index
    %get3A_4 = vector.load %arg2[%get3A_2, %get3A_3] : memref<2000x128xf32, #tpu.memory_space<vmem>>, vector<2000x128xf32>
    %add3A = arith.addf %get3A_1, %get3A_4 : vector<2000x128xf32>
    %get3A_5 = arith.constant 0 : index
    %get3A_6 = arith.constant 0 : index
    %get3A_7 = vector.load %arg4[%get3A_5, %get3A_6] : memref<128x128xf32, #tpu.memory_space<vmem>>, vector<128x128xf32>
    %dot_general3A = arith.constant dense<0.000000e+00> : vector<2000x128xf32>
    %dot_general3A_8 = tpu.matmul %add3A, %get3A_7, %dot_general3A {dimension_numbers = #tpu.dot_dimension_numbers<[1], [0], [0], [1], [0, 0, 1, 1], [], []>, transpose_lhs_hint = false} : vector<2000x128xf32>, vector<128x128xf32>, vector<2000x128xf32> -> vector<2000x128xf32>
    %get3A_9 = arith.constant 0 : index
    %get3A_10 = arith.constant 0 : index
    %get3A_11 = vector.load %arg3[%get3A_9, %get3A_10] : memref<2000x128xf32, #tpu.memory_space<vmem>>, vector<2000x128xf32>
    %add3A_12 = arith.addf %dot_general3A_8, %get3A_11 : vector<2000x128xf32>
    %swap3A = arith.constant 0 : index
    %swap3A_13 = arith.constant 0 : index
    %swap3A_14 = vector.load %arg5[%swap3A, %swap3A_13] : memref<2000x128xf32, #tpu.memory_space<vmem>>, vector<2000x128xf32>
    tpu.vector_store %arg5[%swap3A, %swap3A_13], %add3A_12 {strides = array<i32>} : memref<2000x128xf32, #tpu.memory_space<vmem>>, vector<2000x128xf32>,
    return
  }
  func.func @transform_0(%arg0: i32) -> (i32, i32) {
    %c0_i32 = arith.constant 0 : i32
    %c0_i32_0 = arith.constant 0 : i32
    return %arg0, %c0_i32 : i32, i32
  }
  func.func @transform_1(%arg0: i32) -> (i32, i32) {
    %c0_i32 = arith.constant 0 : i32
    %c0_i32_0 = arith.constant 0 : i32
    return %arg0, %c0_i32 : i32, i32
  }
  func.func @transform_2(%arg0: i32) -> (i32, i32) {
    %c0_i32 = arith.constant 0 : i32
    %c0_i32_0 = arith.constant 0 : i32
    return %arg0, %c0_i32 : i32, i32
  }
  func.func @transform_3(%arg0: i32) -> (i32, i32) {
    %c0_i32 = arith.constant 0 : i32
    %c0_i32_0 = arith.constant 0 : i32
    %c0_i32_1 = arith.constant 0 : i32
    return %c0_i32, %c0_i32_0 : i32, i32
  }
  func.func @transform_4(%arg0: i32) -> (i32, i32) {
    %c0_i32 = arith.constant 0 : i32
    %c0_i32_0 = arith.constant 0 : i32
    return %arg0, %c0_i32 : i32, i32
  }
}

</mosaic_0001>

<sc_bundles>
// kernel: kernel.11.cloned.1.call-start
scs
__scs_entry_jumppad:
0x0: {  	(pc) =	sbr.rel $0x88, $3  }
0x1: {  	(tag) =	ssettag $0x0;
	lr =	simm.s32 $0x1  }
0x2: {  	[smem:$0x3F99] =	sst lr;
	_ =	strace $0xD0000000  }
0x3: {  	_ = 	snop  }
0x4: {  	_ = 	snop  }
0x5: {  	_ = 	snop  }
0x6: {  	_ = 	snop  }
0x7: {  	_ = 	snop  }
__scs_overlays_trampoline_lowered:
0x8: {  	[smem:$0x3FA8] =	sst s0  }
0x9: {  	[smem:$0x3FA9] =	sst s1  }
0xa: {  	[smem:$0x3FAA] =	sst s2  }
0xb: {  	[smem:$0x3FAB] =	sst s3  }
0xc: {  	[smem:$0x3FAC] =	sst s4  }
0xd: {  	[smem:$0x3FAD] =	sst s5  }
0xe: {  	[smem:$0x3FAE] =	sst s6  }
0xf: {  	[smem:$0x3FAF] =	sst s7  }
0x10: {  	[smem:$0x3FB0] =	sst s8  }
0x11: {  	[smem:$0x3FB1] =	sst s9;
	s0 =	simm.s32 @!p0 $0x0  }
0x12: {  	s1 =	sld [smem:$0x3F97];
	s0 =	simm.s32 @p0 $0x1  }
0x13: {  	[smem:$0x3FB2] =	sst s0;
	s0 =	simm.s32 @!p1 $0x0  }
0x14: {  	s2 =	sld [smem:$0x3F96];
	s0 =	simm.s32 @p1 $0x1  }
0x15: {  	[smem:$0x3FB3] =	sst s0;
	s0 =	simm.s32 @!p2 $0x0  }
0x16: {  	s3 =	sld [smem:$0x3FDB];
	s0 =	simm.s32 @p2 $0x1  }
0x17: {  	s4 =	simm.s32 $0x1BF5;
	[smem:$0x3FB5] =	sst s0  }
0x18: {  	s0 =	sld [smem:$0x3F98];
	_ =	swait.ge [sflag:s4], $0x0  }
0x19: {  	s7 =	sld [smem:$0x3F99]  }
0x1a: {  	s8 =	sadd.s32 $0xFFFFE003, lr  }
0x1b: {  	s9 =	sadd.s32 $0xFFFFFEF7, lr;
	s5 =	simm.s32 $0xFFFFFFFF;
	p2 =	slt.u32 s8, $0xFFFFF086  }
0x1c: {  	p1 =	slt.u32 s9, $0xF7A;
	s5 =	simm.s32 @!p2 $0x0  }
0x1d: {  	s5 =	simm.s32 @p1 $0x1;
	p0 =	seq.s32 s7, s2  }
0x1e: {  	s7 =	smul.u32 @!p0 $0xF7A, s2;
	p2 =	seq.s32 @!p0 s5, $0x0  }
0x1f: {  	s9 =	smul.u32 $0xF7A, s1;
	s8 =	simm.s32 @!p0 $0x1BF5;
	p2 =	por !p2, p0  }
0x20: {  	[sflag:s8] =	ssyncset.s32 @!p0 $0xFFFFF086;
	s6 =	sadd.s32 @!p0 s3, s7;
	s7 =	simm.s32 @!p0 $0x108  }
0x21: {  	s3 =	sadd.s32 s3, s9;
	s6 =	sadd.s32 @!p0 $0x88, s6;
	s7 =	simm.s32 @p2 $0x1082  }
0x22: {  	[simem:s7], [sflag:s8] =	dma.local @!p0 [hbm:s6], $0xF7A  }
0x23: {  	s9 =	sor.u32 $0xD0000000, s2;
	s6 =	simm.s32 $0x108;
	_ =	swait.ge @!p0 [sflag:s8], $0x0  }
0x24: {  	s3 =	sadd.s32 $0x88, s3;
	s6 =	simm.s32 @!p1 $0x1082;
	[sflag:s4] =	ssyncset.s32 $0xFFFFF086  }
0x25: {  	[simem:s6], [sflag:s4] =	dma.local [hbm:s3], $0xF7A  }
0x26: {  	[smem:$0x3F99] =	sst s1;
	(tag) =	ssettag s2;
	_ =	strace s9  }
0x27: {  	s1 =	sld [smem:$0x3FA9]  }
0x28: {  	s2 =	sld [smem:$0x3FAA]  }
0x29: {  	s4 =	sld [smem:$0x3FAC]  }
0x2a: {  	p0 =	seq.s32 s5, $0x0;
	s5 =	sld [smem:$0x3FAD]  }
0x2b: {  	s6 =	sld [smem:$0x3FAE]  }
0x2c: {  	s7 =	sld [smem:$0x3FAF]  }
0x2d: {  	s3 =	simm.s32 $0x108;
	s8 =	sld [smem:$0x3FB0]  }
0x2e: {  	s3 =	simm.s32 @!p0 $0x1082;
	s9 =	sld [smem:$0x3FB1]  }
0x2f: {  	lr =	sadd.s32 s0, s3;
	s0 =	sld [smem:$0x3FA8]  }
0x30: {  	s3 =	sld [smem:$0x3FAB]  }
0x31: {  	[smem:$0x3FB4] =	sst s10  }
0x32: {  	s10 =	sld [smem:$0x3FB2];
	_ =	sdelay $0x3  }
0x33: {  	p0 =	seq.s32 s10, $0x1;
	s10 =	sld [smem:$0x3FB4];
	_ =	sdelay $0x3  }
0x34: {  	[smem:$0x3FB4] =	sst s10  }
0x35: {  	s10 =	sld [smem:$0x3FB3];
	_ =	sdelay $0x3  }
0x36: {  	p1 =	seq.s32 s10, $0x1;
	s10 =	sld [smem:$0x3FB4];
	_ =	sdelay $0x3  }
0x37: {  	[smem:$0x3FB4] =	sst s10  }
0x38: {  	s10 =	sld [smem:$0x3FB5]  }
0x39: {  	_ = 	snop;
	(pc) =	sbr.ind lr, $3  }
0x3a: {  	_ = 	snop  }
0x3b: {  	_ = 	snop  }
0x3c: {  	p2 =	seq.s32 s10, $0x1;
	s10 =	sld [smem:$0x3FB4]  }
0x3d: {  	_ =	shalt  }
0x3e: {  	_ =	shalt  }
0x3f: {  	_ =	shalt  }
0x40: {  	_ =	shalt  }
0x41: {  	_ =	shalt  }
0x42: {  	_ =	shalt  }
0x43: {  	_ =	shalt  }
0x44: {  	_ =	shalt  }
0x45: {  	_ =	shalt  }
0x46: {  	_ =	shalt  }
0x47: {  	_ =	shalt  }
0x48: {  	_ =	shalt  }
0x49: {  	_ =	shalt  }
0x4a: {  	_ =	shalt  }
0x4b: {  	_ =	shalt  }
0x4c: {  	_ =	shalt  }
0x4d: {  	_ =	shalt  }
0x4e: {  	_ =	shalt  }
0x4f: {  	_ =	shalt  }
0x50: {  	_ =	shalt  }
0x51: {  	_ =	shalt  }
0x52: {  	_ =	shalt  }
0x53: {  	_ =	shalt  }
0x54: {  	_ =	shalt  }
0x55: {  	_ =	shalt  }
0x56: {  	_ =	shalt  }
0x57: {  	_ =	shalt  }
0x58: {  	_ =	shalt  }
0x59: {  	_ =	shalt  }
0x5a: {  	_ =	shalt  }
0x5b: {  	_ =	shalt  }
0x5c: {  	_ =	shalt  }
0x5d: {  	_ =	shalt  }
0x5e: {  	_ =	shalt  }
0x5f: {  	_ =	shalt  }
0x60: {  	_ =	shalt  }
0x61: {  	_ =	shalt  }
0x62: {  	_ =	shalt  }
0x63: {  	_ =	shalt  }
0x64: {  	_ =	shalt  }
0x65: {  	_ =	shalt  }
0x66: {  	_ =	shalt  }
0x67: {  	_ =	shalt  }
0x68: {  	_ =	shalt  }
0x69: {  	_ =	shalt  }
0x6a: {  	_ =	shalt  }
0x6b: {  	_ =	shalt  }
0x6c: {  	_ =	shalt  }
0x6d: {  	_ =	shalt  }
0x6e: {  	_ =	shalt  }
0x6f: {  	_ =	shalt  }
0x70: {  	_ =	shalt  }
0x71: {  	_ =	shalt  }
0x72: {  	_ =	shalt  }
0x73: {  	_ =	shalt  }
0x74: {  	_ =	shalt  }
0x75: {  	_ =	shalt  }
0x76: {  	_ =	shalt  }
0x77: {  	_ =	shalt  }
0x78: {  	_ =	shalt  }
0x79: {  	_ =	shalt  }
0x7a: {  	_ =	shalt  }
0x7b: {  	_ =	shalt  }
0x7c: {  	_ =	shalt  }
0x7d: {  	_ =	shalt  }
0x7e: {  	_ =	shalt  }
0x7f: {  	_ =	shalt  }
0x80: {  	_ =	shalt  }
0x81: {  	_ =	shalt  }
0x82: {  	_ =	shalt  }
0x83: {  	_ =	shalt  }
0x84: {  	_ =	shalt  }
0x85: {  	_ =	shalt  }
0x86: {  	_ =	shalt  }
0x87: {  	_ =	shalt  }
.Lfunc_end0:
.L_simem_size_0:
called_computation.1_lowered:
.L_overlay_start_0:
0x88: {  	s2 =	sld [smem:$0x3FD9]  }
0x89: {  	s3 =	sld [smem:$0x3FFE];
	_ =	sdelay $0x1  }
0x8a: {  	s1 =	srdreg.scid  }
0x8b: {  	s0 =	sand.u32 $0x1, s1  }
0x8c: {  	s17 =	sshll.u32 s0, $0xA;
	s2 =	sadd.s32 s3, s2  }
0x8d: {  	s2 =	sadd.s32 s2, s17  }
0x8e: {  	[smem:$0x3FC0] =	sst s2  }
0x8f: {  	_ = 	snop  }
0x90: {  	s2 =	sld [smem:$0x3FD0];
	(tm) =	ssettm $0x1  }
0x91: {  	s18 =	sld [smem:$0x3FFB];
	_ =	sdelay $0x3  }
0x92: {  	_ =	strace s18  }
0x93: {  	s3 =	sld [smem:$0x3FFC];
	_ =	sdelay $0x3  }
0x94: {  	_ =	strace s3  }
0x95: {  	s3 =	sld [smem:$0x3FFD];
	_ =	sdelay $0x3  }
0x96: {  	_ =	strace s3  }
0x97: {  	_ =	strace $0x8FFFFFFF  }
0x98: {  	s19 =	sld [smem:$0x3FDB];
	_ =	sdelay $0x1  }
0x99: {  	s4 =	simm.s32 $_scs_section_size  }
0x9a: {  	s5 =	simm.s32 $_size__tile_overlayer_lowered;
	s6 =	simm.s32 $_tile_overlayer_lowered  }
0x9b: {  	s22 =	simm.s32 $0x1BFF;
	s21 =	sshll.u32 s6, $0x1;
	s3 =	sadd.s32 s4, s19  }
0x9c: {  	s7 =	simm.s32 $0x0;
	s20 =	sshll.u32 s5, $0x1;
	s5 =	sadd.s32 s21, s3  }
0x9d: {  	[timem:s7], [sflag:s22] =	dma.local [hbm:s5], s20  }
0x9e: {  	_ =	swait.ge [sflag:s22], s20  }
0x9f: {  	s4 =	ssub.s32 $0x0, s20;
	[sflag:s22] =	ssyncset.done $0x0  }
0xa0: {  	[sflag:s22] =	ssyncadd.s32 s4;
	_ =	sdelay $0x1  }
0xa1: {  	s23 =	simm.s32 $0x1B8B  }
0xa2: {  	_ =	swait.ge [sflag:s23], $0x1  }
0xa3: {  	[sflag:s23] =	ssyncset.done $0x0  }
0xa4: {  	s25 =	simm.s32 $0x1B8E;
	s24 =	sld [smem:$0x3FFE];
	[sflag:s23] =	ssyncadd.s32 $0xFFFFFFFF  }
0xa5: {  	s26 =	simm.s32 $execute0_lowered;
	[smem:$0x3FD2] =	sst s25  }
0xa6: {  	s5 =	sshll.u32 s26, $0x1;
	_ =	strace $0x80000049;
	[dreg:$0x1] =	wrdreg $0xFFFFFFFF  }
0xa7: {  	s28 =	simm.s32 $_size_execute0_lowered;
	s3 =	sadd.s32 s3, s5;
	[dreg:$0x0] =	wrdreg $0x0  }
0xa8: {  	s5 =	sshll.u32 s28, $0x1;
	[dreg:$0x2] =	wrdreg s3  }
0xa9: {  	[dreg:$0x3] =	wrdreg s5  }
0xaa: {  	[dreg:$0x4] =	wrdreg $0xC0  }
0xab: {  	_ =	task [dreg:s7], $0x5FFFF  }
0xac: {  	[dreg:$0x1] =	wrdreg $0xFFFFFFFF  }
0xad: {  	[dreg:$0x0] =	wrdreg $0x60  }
0xae: {  	[dreg:$0x2] =	wrdreg s2  }
0xaf: {  	[dreg:$0x3] =	wrdreg s24  }
0xb0: {  	[dreg:$0x4] =	wrdreg $0xB7800  }
0xb1: {  	[dreg:$0x5] =	wrdreg $0x9  }
0xb2: {  	_ =	task.clear_ibuf [dreg:s7], $0x6FFFF;
	_ =	strace $0x90000049  }
0xb3: {  	s29 =	simm.s32 $0x9;
	_ =	strace $0x8000004B  }
0xb4: {  	_ =	swait.ge [sflag:s29], $0x1  }
0xb5: {  	[sflag:s29] =	ssyncadd.s32 $0xFFFFFFFF  }
0xb6: {  	_ =	strace $0x9000004B  }
0xb7: {  	_ =	sfence  }
0xb8: {  	s30 =	sld [smem:$0x0];
	_ =	sdelay $0x2  }
0xb9: {  	s31 =	sshll.u32 s1, $0xD;
	s1 =	sshrl.u32 s1, $0x2  }
0xba: {  	s3 =	sand.u32 $0x4000, s31;
	s1 =	sadd.s32 s1, s30  }
0xbb: {  	s0 =	sor.u32 s3, s0;
	s1 =	sshll.u32 s1, $0x11  }
0xbc: {  	s0 =	sor.u32 s1, s0  }
0xbd: {  	s0 =	sadd.s32 $0x8F2B, s0  }
0xbe: {  	[sflag:s0] =	ssyncadd.remote.s32 $0x1  }
0xbf: {  	_ =	sfence.sel $0xFFFF  }
0xc0: {  	[dreg:$0x0] =	wrdreg $0xFFFFFFFF;
	(pc) =	sbr.abs _section_cstart, $3  }
0xc1: {  	[dreg:$0x1] =	wrdreg $0xFFFFFFFF  }
0xc2: {  	_ =	task.clear_ibuf [dreg:s7], $0x2FFFF;
	_ =	strace $0x9FFFFFFF  }
0xc3: {  	(tm) =	ssettm $0x7FFFFFFF  }
tec
execute0_lowered:
.L_overlay_start_1:
0x0: {  	(tag) =	ssettag $0x1  }
0x1: {  	s1 =	srdreg.scid  }
0x2: {  	s0 =	stileid.u32;
	s7 =	rddreg [dreg:$0x1]  }
0x3: {  	s3 =	rddreg [dreg:$0x2];
	s4 =	simm.s32 $0x0;
	s13 =	simm.s32 $0x2780  }
0x4: {  	s14 =	simm.s32 $0x1;
	s15 =	simm.s32 $0x2;
	s16 =	simm.s32 $0x3  }
0x5: {  	s17 =	simm.s32 $0x50;
	s18 =	simm.s32 $0x6780;
	s19 =	simm.s32 $0x8F80  }
0x6: {  	s20 =	simm.s32 $0x4;
	s21 =	simm.s32 $0x6580;
	s25 =	simm.s32 $0x0  }
0x7: {  	s5 =	sand.u32 $0x1, s1;
	s2 =	sshll.u32 s0, $0x1;
	s1 =	rddreg [dreg:$0x0]  }
0x8: {  	s26 =	sshrl.u32 s0, $0x2;
	[smem:$0x7FF] =	sst s4;
	s22 =	smul.u32 $0x2780, s0  }
0x9: {  	s10 =	smul.u32 $0x4F000, s0;
	s23 =	sshll.u32 s0, $0x6;
	s6 =	sor.u32 s5, s2  }
0xa: {  	s8 =	smul.u32 $0x13C00, s26;
	s2 =	rddreg [dreg:$0x3];
	_ =	strace $0x8000004A  }
0xb: {  	s29 =	smul.u32 $0x27800, s5;
	s5 =	ssub.s32 $0x2, s5;
	s28 =	sshll.u32 s6, $0x7  }
0xc: {  	s6 =	sshll.u32 s6, $0xB;
	s30 =	sadd.s32 s22, s7;
	s12 =	sshrl.u32 s5, $0x1  }
0xd: {  	s31 =	sshrl.u32 s10, $0x2;
	s9 =	sand.u32 $0x380, s28;
	s11 =	sadd.s32 s6, s7  }
0xe: {  	s12 =	ssub.s32 s5, s12;
	s10 =	sadd.s32 s31, s3;
	s5 =	sadd.s32 $0x1BA00, s30  }
0xf: {  	s6 =	sor.u32 $0x1C01, s23;
	s23 =	sor.u32 $0x1C05, s23;
	s8 =	sor.u32 s8, s9  }
0x10: {  	s9 =	sadd.s32 s29, s7;
	s10 =	sshrl.u32 s10, $0x3;
	s8 =	sshrl.u32 s8, $0x3  }
0x11: {  	s24 =	sadd.s32 $0x43200, s9;
	s9 =	smax.u32 s12, $0x1;
	s12 =	simm.s32 $0x400  }
0x12: {  	s8 =	sadd.s32 s8, s7;
	s22 =	sadd.s32 s22, s24;
	s24 =	simm.s32 $0x5  }
0x13: {  	s7 =	sadd.s32 $0x11C00, s8;
	s8 =	sadd.s32 $0x1C00, s11;
	s11 =	simm.s32 $0x80  }
.LBB2_1:
0x14: {  	[spmem:s10], [sflag:s6] =	dma.local [hbm:s5], $0x2780  }
0x15: {  	[tilespmem:s4], [sflag:$0x2] =	stream.strided.gather [hbm4b:s7+s11], $0x2780, s12, s11, $0x38;
	[tilespmem:$0x1F380] =	vst v63  }
0x16: {  	_ = 	snop  }
0x17: {  	[tilespmem:s13], [sflag:$0x3] =	stream.linear.gather [hbm4b:s8+s4], $0x3E80, $0x38;
	[tilespmem:$0x1F380] =	vst v63  }
0x18: {  	_ =	swait.ge [sflag:s14], $0x2780  }
0x19: {  	[sflag:s14] =	ssyncset.done $0x0  }
0x1a: {  	[sflag:s14] =	ssyncadd.s32 $0xFFFFD880  }
0x1b: {  	_ =	swait.ge [sflag:s15], $0x2780  }
0x1c: {  	[sflag:s15] =	ssyncset.done $0x0  }
0x1d: {  	[sflag:s15] =	ssyncadd.s32 $0xFFFFD880  }
0x1e: {  	_ =	swait.ge [sflag:s16], $0x3E80  }
0x1f: {  	[sflag:s16] =	ssyncset.done $0x0  }
0x20: {  	[sflag:s16] =	ssyncadd.s32 $0xFFFFC180  }
0x21: {  	[bflag:$0x0] =	sbarrier.arrive $0xFFFF  }
0x22: {  	[tilespmem:s18], [sflag:$0x1] =	stream.indirect.gather [hbm4b:s1+s17], $0x80, s4, s17, $0xb8;
	[tilespmem:$0x1F380] =	vst v63  }
0x23: {  	s26 =	simm.s32 $0x50  }
0x24: {  	[tilespmem:s19], [sflag:$0x2] =	stream.indirect.gather [hbm4b:s1+s17], $0x80, s26, s17, $0xb8;
	[tilespmem:$0x1F380] =	vst v63  }
0x25: {  	_ =	swait.ge [sflag:s14], $0x2800  }
0x26: {  	[sflag:s14] =	ssyncset.done $0x0  }
0x27: {  	s31 =	simm.s32 $0x2780;
	[sflag:s14] =	ssyncadd.s32 $0xFFFFD800  }
0x28: {  	[spmem:s3] =	stream.indirect.scatter.add.f32 [tilespmem:s18], [sflag:$0x3], $0x80, s31, s17, $0xb8;
	[tilespmem:$0x1F380] =	vst v63  }
0x29: {  	_ =	swait.ge [sflag:s16], $0x2800  }
0x2a: {  	[sflag:s16] =	ssyncset.done $0x0  }
0x2b: {  	s30 =	simm.s32 $0xA0;
	[sflag:s16] =	ssyncadd.s32 $0xFFFFD800  }
0x2c: {  	[tilespmem:s18], [sflag:$0x1] =	stream.indirect.gather [hbm4b:s1+s17], $0x80, s30, s17, $0xb8;
	[tilespmem:$0x1F380] =	vst v63  }
0x2d: {  	_ =	swait.ge [sflag:s15], $0x2800  }
0x2e: {  	[sflag:s15] =	ssyncset.done $0x0  }
0x2f: {  	s31 =	simm.s32 $0x2800;
	[sflag:s15] =	ssyncadd.s32 $0xFFFFD800  }
0x30: {  	[spmem:s3] =	stream.indirect.scatter.add.f32 [tilespmem:s19], [sflag:$0x4], $0x80, s31, s17, $0xb8;
	[tilespmem:$0x1F380] =	vst v63  }
0x31: {  	s28 =	simm.s32 $0x400;
	_ =	swait.ge [sflag:s20], $0x2800  }
0x32: {  	s29 =	simm.s32 $0x800;
	s26 =	simm.s32 $0x140;
	[sflag:s20] =	ssyncset.done $0x0  }
.LBB2_2:
0x33: {  	p0 =	sne.s32 s29, $0xF400;
	s30 =	sadd.s32 $0xFFFFFFB0, s26;
	[sflag:s20] =	ssyncadd.s32 $0xFFFFD800  }
0x34: {  	[tilespmem:s19], [sflag:$0x2] =	stream.indirect.gather [hbm4b:s1+s17], $0x80, s30, s17, $0xb8;
	[tilespmem:$0x1F380] =	vst v63  }
0x35: {  	s30 =	smov.u32 s29;
	s29 =	sadd.s32 $0x400, s29;
	_ =	swait.ge [sflag:s14], $0x2800  }
0x36: {  	s31 =	sshra.s32 s28, $0x2;
	s28 =	smov.u32 s30;
	[sflag:s14] =	ssyncset.done $0x0  }
0x37: {  	s30 =	sadd.s32 $0x2780, s31;
	[sflag:s14] =	ssyncadd.s32 $0xFFFFD800  }
0x38: {  	[spmem:s3] =	stream.indirect.scatter.add.f32 [tilespmem:s18], [sflag:$0x3], $0x80, s30, s17, $0xb8;
	[tilespmem:$0x1F380] =	vst v63  }
0x39: {  	_ =	swait.ge [sflag:s16], $0x2800  }
0x3a: {  	[sflag:s16] =	ssyncset.done $0x0  }
0x3b: {  	[sflag:s16] =	ssyncadd.s32 $0xFFFFD800  }
0x3c: {  	[tilespmem:s18], [sflag:$0x1] =	stream.indirect.gather [hbm4b:s1+s17], $0x80, s26, s17, $0xb8;
	[tilespmem:$0x1F380] =	vst v63  }
0x3d: {  	_ =	swait.ge [sflag:s15], $0x2800  }
.Ltmp0:
0x3e: {  	[sflag:s15] =	ssyncset.done $0x0;
	(pc) =	sbr.rel @p0 .LBB2_2-.Ltmp0, $4  }
0x3f: {  	s30 =	sadd.s32 $0x2800, s31;
	[sflag:s15] =	ssyncadd.s32 $0xFFFFD800  }
0x40: {  	[spmem:s3] =	stream.indirect.scatter.add.f32 [tilespmem:s19], [sflag:$0x4], $0x80, s30, s17, $0xb8;
	[tilespmem:$0x1F380] =	vst v63  }
0x41: {  	_ =	swait.ge [sflag:s20], $0x2800  }
0x42: {  	s26 =	sadd.s32 $0xA0, s26;
	[sflag:s20] =	ssyncset.done $0x0  }
0x43: {  	s29 =	sadd.s32 $0xFFFFFFB0, s26;
	[sflag:s20] =	ssyncadd.s32 $0xFFFFD800  }
0x44: {  	[tilespmem:s19], [sflag:$0x2] =	stream.indirect.gather [hbm4b:s1+s17], $0x80, s29, s17, $0xb8;
	[tilespmem:$0x1F380] =	vst v63  }
0x45: {  	_ =	swait.ge [sflag:s14], $0x2800  }
0x46: {  	s28 =	sshra.s32 s28, $0x2;
	[sflag:s14] =	ssyncset.done $0x0  }
0x47: {  	s30 =	sadd.s32 $0x2780, s28;
	[sflag:s14] =	ssyncadd.s32 $0xFFFFD800  }
0x48: {  	[spmem:s3] =	stream.indirect.scatter.add.f32 [tilespmem:s18], [sflag:$0x3], $0x80, s30, s17, $0xb8;
	[tilespmem:$0x1F380] =	vst v63  }
0x49: {  	_ =	swait.ge [sflag:s16], $0x2800  }
0x4a: {  	[sflag:s16] =	ssyncset.done $0x0  }
0x4b: {  	[sflag:s16] =	ssyncadd.s32 $0xFFFFD800  }
0x4c: {  	[tilespmem:s18], [sflag:$0x1] =	stream.indirect.gather [hbm4b:s1+s17], $0x80, s26, s17, $0xb8;
	[tilespmem:$0x1F380] =	vst v63  }
0x4d: {  	_ =	swait.ge [sflag:s15], $0x2800  }
0x4e: {  	[sflag:s15] =	ssyncset.done $0x0  }
0x4f: {  	s31 =	sadd.s32 $0x2800, s28;
	[sflag:s15] =	ssyncadd.s32 $0xFFFFD800  }
0x50: {  	[spmem:s3] =	stream.indirect.scatter.add.f32 [tilespmem:s19], [sflag:$0x4], $0x80, s31, s17, $0xb8;
	[tilespmem:$0x1F380] =	vst v63  }
0x51: {  	_ =	swait.ge [sflag:s20], $0x2800  }
0x52: {  	[sflag:s20] =	ssyncset.done $0x0  }
0x53: {  	[sflag:s20] =	ssyncadd.s32 $0xFFFFD800  }
0x54: {  	_ =	swait.ge [sflag:s14], $0x2800  }
0x55: {  	[sflag:s14] =	ssyncset.done $0x0  }
0x56: {  	[sflag:s14] =	ssyncadd.s32 $0xFFFFD800  }
0x57: {  	[spmem:s3] =	stream.indirect.scatter.add.f32 [tilespmem:s18], [sflag:$0x3], $0x80, s21, s17, $0xb8;
	[tilespmem:$0x1F380] =	vst v63  }
0x58: {  	_ =	swait.ge [sflag:s16], $0x2800  }
0x59: {  	s25 =	sadd.s32 $0x1, s25;
	[sflag:s16] =	ssyncset.done $0x0  }
0x5a: {  	p0 =	sne.s32 s25, s9;
	[sflag:s16] =	ssyncadd.s32 $0xFFFFD800  }
.Ltmp1:
0x5b: {  	[bflag:$0x0] =	sbarrier.arrive $0xFFFF;
	(pc) =	sbr.rel @p0 .LBB2_1-.Ltmp1, $4  }
0x5c: {  	[hbm:s22], [sflag:s23] =	dma.local [spmem:s10], $0x2780  }
0x5d: {  	_ =	swait.ge [sflag:s24], $0x2780  }
0x5e: {  	[sflag:s24] =	ssyncset.done $0x0  }
0x5f: {  	[sflag:s24] =	ssyncadd.s32 $0xFFFFD880  }
0x60: {  	_ =	sfence.sel $0x180000  }
0x61: {  	[bflag:$0x0] =	sbarrier.arrive $0xFFFF  }
0x62: {  	p0 =	sne.s32 s0, $0x0;
	_ =	strace $0x9000004A  }
0x63: {  	s0 =	sadd.s32 @!p0 $0x100000, s2;
	[bflag:$0x2] =	sbarrier.arrive $0xFFFF  }
0x64: {  	[sflag:s0] =	ssyncadd.tile.s32 @!p0 $0x1;
	_ =	shalt  }
.Lfunc_end2:
_tile_overlayer_lowered:
.L_overlay_start_2:
0x65: {  	(tag) =	ssettag $0x2  }
0x66: {  	s0 =	rddreg [dreg:$0x0];
	s2 =	stileid.u32  }
0x67: {  	s1 =	rddreg [dreg:$0x1];
	p0 =	sne.s32 s2, $0x0  }
0x68: {  	s3 =	rddreg [dreg:$0x2];
	[bflag:$0x3] =	sbarrier.arrive $0xFFFF;
	s2 =	simm.s32 @!p0 $0x1C05  }
0x69: {  	[timem:s3], [sflag:s2] =	dma.local @!p0 [hbm:s0], s1  }
0x6a: {  	s0 =	simm.s32 @!p0 $0x5  }
0x6b: {  	_ =	swait.ge @!p0 [sflag:s0], s1  }
0x6c: {  	s1 =	ssub.s32 @!p0 $0x0, s1;
	[sflag:s0] =	ssyncset.done @!p0 $0x0  }
0x6d: {  	[sflag:s0] =	ssyncadd.s32 @!p0 s1  }
0x6e: {  	[bflag:$0x3] =	sbarrier.arrive $0xFFFF  }
0x6f: {  	_ =	shalt  }

// kernel: kernel.8.cloned.1.call-start
scs
__scs_entry_jumppad:
0x0: {  	(pc) =	sbr.rel $0x88, $3  }
0x1: {  	(tag) =	ssettag $0x0;
	lr =	simm.s32 $0x1  }
0x2: {  	[smem:$0x3F99] =	sst lr;
	_ =	strace $0xD0000000  }
0x3: {  	_ = 	snop  }
0x4: {  	_ = 	snop  }
0x5: {  	_ = 	snop  }
0x6: {  	_ = 	snop  }
0x7: {  	_ = 	snop  }
__scs_overlays_trampoline_lowered:
0x8: {  	[smem:$0x3FA8] =	sst s0  }
0x9: {  	[smem:$0x3FA9] =	sst s1  }
0xa: {  	[smem:$0x3FAA] =	sst s2  }
0xb: {  	[smem:$0x3FAB] =	sst s3  }
0xc: {  	[smem:$0x3FAC] =	sst s4  }
0xd: {  	[smem:$0x3FAD] =	sst s5  }
0xe: {  	[smem:$0x3FAE] =	sst s6  }
0xf: {  	[smem:$0x3FAF] =	sst s7  }
0x10: {  	[smem:$0x3FB0] =	sst s8  }
0x11: {  	[smem:$0x3FB1] =	sst s9;
	s0 =	simm.s32 @!p0 $0x0  }
0x12: {  	s1 =	sld [smem:$0x3F97];
	s0 =	simm.s32 @p0 $0x1  }
0x13: {  	[smem:$0x3FB2] =	sst s0;
	s0 =	simm.s32 @!p1 $0x0  }
0x14: {  	s2 =	sld [smem:$0x3F96];
	s0 =	simm.s32 @p1 $0x1  }
0x15: {  	[smem:$0x3FB3] =	sst s0;
	s0 =	simm.s32 @!p2 $0x0  }
0x16: {  	s3 =	sld [smem:$0x3FDB];
	s0 =	simm.s32 @p2 $0x1  }
0x17: {  	s4 =	simm.s32 $0x1BF5;
	[smem:$0x3FB5] =	sst s0  }
0x18: {  	s0 =	sld [smem:$0x3F98];
	_ =	swait.ge [sflag:s4], $0x0  }
0x19: {  	s7 =	sld [smem:$0x3F99]  }
0x1a: {  	s8 =	sadd.s32 $0xFFFFE003, lr  }
0x1b: {  	s9 =	sadd.s32 $0xFFFFFEF7, lr;
	s5 =	simm.s32 $0xFFFFFFFF;
	p2 =	slt.u32 s8, $0xFFFFF086  }
0x1c: {  	p1 =	slt.u32 s9, $0xF7A;
	s5 =	simm.s32 @!p2 $0x0  }
0x1d: {  	s5 =	simm.s32 @p1 $0x1;
	p0 =	seq.s32 s7, s2  }
0x1e: {  	s7 =	smul.u32 @!p0 $0xF7A, s2;
	p2 =	seq.s32 @!p0 s5, $0x0  }
0x1f: {  	s9 =	smul.u32 $0xF7A, s1;
	s8 =	simm.s32 @!p0 $0x1BF5;
	p2 =	por !p2, p0  }
0x20: {  	[sflag:s8] =	ssyncset.s32 @!p0 $0xFFFFF086;
	s6 =	sadd.s32 @!p0 s3, s7;
	s7 =	simm.s32 @!p0 $0x108  }
0x21: {  	s3 =	sadd.s32 s3, s9;
	s6 =	sadd.s32 @!p0 $0x88, s6;
	s7 =	simm.s32 @p2 $0x1082  }
0x22: {  	[simem:s7], [sflag:s8] =	dma.local @!p0 [hbm:s6], $0xF7A  }
0x23: {  	s9 =	sor.u32 $0xD0000000, s2;
	s6 =	simm.s32 $0x108;
	_ =	swait.ge @!p0 [sflag:s8], $0x0  }
0x24: {  	s3 =	sadd.s32 $0x88, s3;
	s6 =	simm.s32 @!p1 $0x1082;
	[sflag:s4] =	ssyncset.s32 $0xFFFFF086  }
0x25: {  	[simem:s6], [sflag:s4] =	dma.local [hbm:s3], $0xF7A  }
0x26: {  	[smem:$0x3F99] =	sst s1;
	(tag) =	ssettag s2;
	_ =	strace s9  }
0x27: {  	s1 =	sld [smem:$0x3FA9]  }
0x28: {  	s2 =	sld [smem:$0x3FAA]  }
0x29: {  	s4 =	sld [smem:$0x3FAC]  }
0x2a: {  	p0 =	seq.s32 s5, $0x0;
	s5 =	sld [smem:$0x3FAD]  }
0x2b: {  	s6 =	sld [smem:$0x3FAE]  }
0x2c: {  	s7 =	sld [smem:$0x3FAF]  }
0x2d: {  	s3 =	simm.s32 $0x108;
	s8 =	sld [smem:$0x3FB0]  }
0x2e: {  	s3 =	simm.s32 @!p0 $0x1082;
	s9 =	sld [smem:$0x3FB1]  }
0x2f: {  	lr =	sadd.s32 s0, s3;
	s0 =	sld [smem:$0x3FA8]  }
0x30: {  	s3 =	sld [smem:$0x3FAB]  }
0x31: {  	[smem:$0x3FB4] =	sst s10  }
0x32: {  	s10 =	sld [smem:$0x3FB2];
	_ =	sdelay $0x3  }
0x33: {  	p0 =	seq.s32 s10, $0x1;
	s10 =	sld [smem:$0x3FB4];
	_ =	sdelay $0x3  }
0x34: {  	[smem:$0x3FB4] =	sst s10  }
0x35: {  	s10 =	sld [smem:$0x3FB3];
	_ =	sdelay $0x3  }
0x36: {  	p1 =	seq.s32 s10, $0x1;
	s10 =	sld [smem:$0x3FB4];
	_ =	sdelay $0x3  }
0x37: {  	[smem:$0x3FB4] =	sst s10  }
0x38: {  	s10 =	sld [smem:$0x3FB5]  }
0x39: {  	_ = 	snop;
	(pc) =	sbr.ind lr, $3  }
0x3a: {  	_ = 	snop  }
0x3b: {  	_ = 	snop  }
0x3c: {  	p2 =	seq.s32 s10, $0x1;
	s10 =	sld [smem:$0x3FB4]  }
0x3d: {  	_ =	shalt  }
0x3e: {  	_ =	shalt  }
0x3f: {  	_ =	shalt  }
0x40: {  	_ =	shalt  }
0x41: {  	_ =	shalt  }
0x42: {  	_ =	shalt  }
0x43: {  	_ =	shalt  }
0x44: {  	_ =	shalt  }
0x45: {  	_ =	shalt  }
0x46: {  	_ =	shalt  }
0x47: {  	_ =	shalt  }
0x48: {  	_ =	shalt  }
0x49: {  	_ =	shalt  }
0x4a: {  	_ =	shalt  }
0x4b: {  	_ =	shalt  }
0x4c: {  	_ =	shalt  }
0x4d: {  	_ =	shalt  }
0x4e: {  	_ =	shalt  }
0x4f: {  	_ =	shalt  }
0x50: {  	_ =	shalt  }
0x51: {  	_ =	shalt  }
0x52: {  	_ =	shalt  }
0x53: {  	_ =	shalt  }
0x54: {  	_ =	shalt  }
0x55: {  	_ =	shalt  }
0x56: {  	_ =	shalt  }
0x57: {  	_ =	shalt  }
0x58: {  	_ =	shalt  }
0x59: {  	_ =	shalt  }
0x5a: {  	_ =	shalt  }
0x5b: {  	_ =	shalt  }
0x5c: {  	_ =	shalt  }
0x5d: {  	_ =	shalt  }
0x5e: {  	_ =	shalt  }
0x5f: {  	_ =	shalt  }
0x60: {  	_ =	shalt  }
0x61: {  	_ =	shalt  }
0x62: {  	_ =	shalt  }
0x63: {  	_ =	shalt  }
0x64: {  	_ =	shalt  }
0x65: {  	_ =	shalt  }
0x66: {  	_ =	shalt  }
0x67: {  	_ =	shalt  }
0x68: {  	_ =	shalt  }
0x69: {  	_ =	shalt  }
0x6a: {  	_ =	shalt  }
0x6b: {  	_ =	shalt  }
0x6c: {  	_ =	shalt  }
0x6d: {  	_ =	shalt  }
0x6e: {  	_ =	shalt  }
0x6f: {  	_ =	shalt  }
0x70: {  	_ =	shalt  }
0x71: {  	_ =	shalt  }
0x72: {  	_ =	shalt  }
0x73: {  	_ =	shalt  }
0x74: {  	_ =	shalt  }
0x75: {  	_ =	shalt  }
0x76: {  	_ =	shalt  }
0x77: {  	_ =	shalt  }
0x78: {  	_ =	shalt  }
0x79: {  	_ =	shalt  }
0x7a: {  	_ =	shalt  }
0x7b: {  	_ =	shalt  }
0x7c: {  	_ =	shalt  }
0x7d: {  	_ =	shalt  }
0x7e: {  	_ =	shalt  }
0x7f: {  	_ =	shalt  }
0x80: {  	_ =	shalt  }
0x81: {  	_ =	shalt  }
0x82: {  	_ =	shalt  }
0x83: {  	_ =	shalt  }
0x84: {  	_ =	shalt  }
0x85: {  	_ =	shalt  }
0x86: {  	_ =	shalt  }
0x87: {  	_ =	shalt  }
.Lfunc_end0:
.L_simem_size_0:
called_computation_lowered:
.L_overlay_start_0:
0x88: {  	s2 =	sld [smem:$0x3FD9]  }
0x89: {  	s3 =	sld [smem:$0x3FFE];
	_ =	sdelay $0x1  }
0x8a: {  	s1 =	srdreg.scid  }
0x8b: {  	s0 =	sand.u32 $0x1, s1  }
0x8c: {  	s17 =	sshll.u32 s0, $0xA;
	s2 =	sadd.s32 s3, s2  }
0x8d: {  	s2 =	sadd.s32 s2, s17  }
0x8e: {  	[smem:$0x3FC0] =	sst s2  }
0x8f: {  	_ = 	snop  }
0x90: {  	s2 =	sld [smem:$0x3FC9];
	(tm) =	ssettm $0x1  }
0x91: {  	s18 =	sld [smem:$0x3FFB];
	_ =	sdelay $0x3  }
0x92: {  	_ =	strace s18  }
0x93: {  	s3 =	sld [smem:$0x3FFC];
	_ =	sdelay $0x3  }
0x94: {  	_ =	strace s3  }
0x95: {  	s3 =	sld [smem:$0x3FFD];
	_ =	sdelay $0x3  }
0x96: {  	_ =	strace s3  }
0x97: {  	_ =	strace $0x8FFFFFFF  }
0x98: {  	s19 =	sld [smem:$0x3FDB];
	_ =	sdelay $0x1  }
0x99: {  	s4 =	simm.s32 $_scs_section_size  }
0x9a: {  	s5 =	simm.s32 $_size__tile_overlayer_lowered;
	s6 =	simm.s32 $_tile_overlayer_lowered  }
0x9b: {  	s22 =	simm.s32 $0x1BFF;
	s21 =	sshll.u32 s6, $0x1;
	s3 =	sadd.s32 s4, s19  }
0x9c: {  	s7 =	simm.s32 $0x0;
	s20 =	sshll.u32 s5, $0x1;
	s5 =	sadd.s32 s21, s3  }
0x9d: {  	[timem:s7], [sflag:s22] =	dma.local [hbm:s5], s20  }
0x9e: {  	_ =	swait.ge [sflag:s22], s20  }
0x9f: {  	s4 =	ssub.s32 $0x0, s20;
	[sflag:s22] =	ssyncset.done $0x0  }
0xa0: {  	[sflag:s22] =	ssyncadd.s32 s4;
	_ =	sdelay $0x1  }
0xa1: {  	s23 =	simm.s32 $0x1B8B  }
0xa2: {  	_ =	swait.ge [sflag:s23], $0x1  }
0xa3: {  	[sflag:s23] =	ssyncset.done $0x0  }
0xa4: {  	s25 =	simm.s32 $0x1B8E;
	s24 =	sld [smem:$0x3FFE];
	[sflag:s23] =	ssyncadd.s32 $0xFFFFFFFF  }
0xa5: {  	s26 =	simm.s32 $execute0_lowered;
	[smem:$0x3FD2] =	sst s25  }
0xa6: {  	s5 =	sshll.u32 s26, $0x1;
	_ =	strace $0x80000046;
	[dreg:$0x1] =	wrdreg $0xFFFFFFFF  }
0xa7: {  	s28 =	simm.s32 $_size_execute0_lowered;
	s3 =	sadd.s32 s3, s5;
	[dreg:$0x0] =	wrdreg $0x0  }
0xa8: {  	s5 =	sshll.u32 s28, $0x1;
	[dreg:$0x2] =	wrdreg s3  }
0xa9: {  	[dreg:$0x3] =	wrdreg s5  }
0xaa: {  	[dreg:$0x4] =	wrdreg $0xC0  }
0xab: {  	_ =	task [dreg:s7], $0x5FFFF  }
0xac: {  	[dreg:$0x1] =	wrdreg $0xFFFFFFFF  }
0xad: {  	[dreg:$0x0] =	wrdreg $0x60  }
0xae: {  	[dreg:$0x2] =	wrdreg s2  }
0xaf: {  	[dreg:$0x3] =	wrdreg s24  }
0xb0: {  	[dreg:$0x4] =	wrdreg $0xB7800  }
0xb1: {  	[dreg:$0x5] =	wrdreg $0x9  }
0xb2: {  	_ =	task.clear_ibuf [dreg:s7], $0x6FFFF;
	_ =	strace $0x90000046  }
0xb3: {  	s29 =	simm.s32 $0x9;
	_ =	strace $0x80000048  }
0xb4: {  	_ =	swait.ge [sflag:s29], $0x1  }
0xb5: {  	[sflag:s29] =	ssyncadd.s32 $0xFFFFFFFF  }
0xb6: {  	_ =	strace $0x90000048  }
0xb7: {  	_ =	sfence  }
0xb8: {  	s30 =	sld [smem:$0x0];
	_ =	sdelay $0x2  }
0xb9: {  	s31 =	sshll.u32 s1, $0xD;
	s1 =	sshrl.u32 s1, $0x2  }
0xba: {  	s3 =	sand.u32 $0x4000, s31;
	s1 =	sadd.s32 s1, s30  }
0xbb: {  	s0 =	sor.u32 s3, s0;
	s1 =	sshll.u32 s1, $0x11  }
0xbc: {  	s0 =	sor.u32 s1, s0  }
0xbd: {  	s0 =	sadd.s32 $0x8F2B, s0  }
0xbe: {  	[sflag:s0] =	ssyncadd.remote.s32 $0x1  }
0xbf: {  	_ =	sfence.sel $0xFFFF  }
0xc0: {  	[dreg:$0x0] =	wrdreg $0xFFFFFFFF;
	(pc) =	sbr.abs _section_cstart, $3  }
0xc1: {  	[dreg:$0x1] =	wrdreg $0xFFFFFFFF  }
0xc2: {  	_ =	task.clear_ibuf [dreg:s7], $0x2FFFF;
	_ =	strace $0x9FFFFFFF  }
0xc3: {  	(tm) =	ssettm $0x7FFFFFFF  }
tec
execute0_lowered:
.L_overlay_start_1:
0x0: {  	(tag) =	ssettag $0x1  }
0x1: {  	s1 =	srdreg.scid  }
0x2: {  	s0 =	stileid.u32;
	s7 =	rddreg [dreg:$0x1]  }
0x3: {  	s3 =	rddreg [dreg:$0x2];
	s4 =	simm.s32 $0x0;
	s13 =	simm.s32 $0x2780  }
0x4: {  	s14 =	simm.s32 $0x1;
	s15 =	simm.s32 $0x2;
	s16 =	simm.s32 $0x3  }
0x5: {  	s17 =	simm.s32 $0x50;
	s18 =	simm.s32 $0x6780;
	s19 =	simm.s32 $0x8F80  }
0x6: {  	s20 =	simm.s32 $0x4;
	s21 =	simm.s32 $0x6580;
	s25 =	simm.s32 $0x0  }
0x7: {  	s5 =	sand.u32 $0x1, s1;
	s2 =	sshll.u32 s0, $0x1;
	s1 =	rddreg [dreg:$0x0]  }
0x8: {  	s26 =	sshrl.u32 s0, $0x2;
	[smem:$0x7FF] =	sst s4;
	s22 =	smul.u32 $0x2780, s0  }
0x9: {  	s10 =	smul.u32 $0x4F000, s0;
	s23 =	sshll.u32 s0, $0x6;
	s6 =	sor.u32 s5, s2  }
0xa: {  	s8 =	smul.u32 $0x13C00, s26;
	s2 =	rddreg [dreg:$0x3];
	_ =	strace $0x80000047  }
0xb: {  	s29 =	smul.u32 $0x27800, s5;
	s5 =	ssub.s32 $0x2, s5;
	s28 =	sshll.u32 s6, $0x7  }
0xc: {  	s6 =	sshll.u32 s6, $0xB;
	s30 =	sadd.s32 s22, s7;
	s12 =	sshrl.u32 s5, $0x1  }
0xd: {  	s31 =	sshrl.u32 s10, $0x2;
	s9 =	sand.u32 $0x380, s28;
	s11 =	sadd.s32 s6, s7  }
0xe: {  	s12 =	ssub.s32 s5, s12;
	s10 =	sadd.s32 s31, s3;
	s5 =	sadd.s32 $0x1BA00, s30  }
0xf: {  	s6 =	sor.u32 $0x1C01, s23;
	s23 =	sor.u32 $0x1C05, s23;
	s8 =	sor.u32 s8, s9  }
0x10: {  	s9 =	sadd.s32 s29, s7;
	s10 =	sshrl.u32 s10, $0x3;
	s8 =	sshrl.u32 s8, $0x3  }
0x11: {  	s24 =	sadd.s32 $0x43200, s9;
	s9 =	smax.u32 s12, $0x1;
	s12 =	simm.s32 $0x400  }
0x12: {  	s8 =	sadd.s32 s8, s7;
	s22 =	sadd.s32 s22, s24;
	s24 =	simm.s32 $0x5  }
0x13: {  	s7 =	sadd.s32 $0x11C00, s8;
	s8 =	sadd.s32 $0x1C00, s11;
	s11 =	simm.s32 $0x80  }
.LBB2_1:
0x14: {  	[spmem:s10], [sflag:s6] =	dma.local [hbm:s5], $0x2780  }
0x15: {  	[tilespmem:s4], [sflag:$0x2] =	stream.strided.gather [hbm4b:s7+s11], $0x2780, s12, s11, $0x38;
	[tilespmem:$0x1F380] =	vst v63  }
0x16: {  	_ = 	snop  }
0x17: {  	[tilespmem:s13], [sflag:$0x3] =	stream.linear.gather [hbm4b:s8+s4], $0x3E80, $0x38;
	[tilespmem:$0x1F380] =	vst v63  }
0x18: {  	_ =	swait.ge [sflag:s14], $0x2780  }
0x19: {  	[sflag:s14] =	ssyncset.done $0x0  }
0x1a: {  	[sflag:s14] =	ssyncadd.s32 $0xFFFFD880  }
0x1b: {  	_ =	swait.ge [sflag:s15], $0x2780  }
0x1c: {  	[sflag:s15] =	ssyncset.done $0x0  }
0x1d: {  	[sflag:s15] =	ssyncadd.s32 $0xFFFFD880  }
0x1e: {  	_ =	swait.ge [sflag:s16], $0x3E80  }
0x1f: {  	[sflag:s16] =	ssyncset.done $0x0  }
0x20: {  	[sflag:s16] =	ssyncadd.s32 $0xFFFFC180  }
0x21: {  	[bflag:$0x0] =	sbarrier.arrive $0xFFFF  }
0x22: {  	[tilespmem:s18], [sflag:$0x1] =	stream.indirect.gather [hbm4b:s1+s17], $0x80, s4, s17, $0xb8;
	[tilespmem:$0x1F380] =	vst v63  }
0x23: {  	s26 =	simm.s32 $0x50  }
0x24: {  	[tilespmem:s19], [sflag:$0x2] =	stream.indirect.gather [hbm4b:s1+s17], $0x80, s26, s17, $0xb8;
	[tilespmem:$0x1F380] =	vst v63  }
0x25: {  	_ =	swait.ge [sflag:s14], $0x2800  }
0x26: {  	[sflag:s14] =	ssyncset.done $0x0  }
0x27: {  	s31 =	simm.s32 $0x2780;
	[sflag:s14] =	ssyncadd.s32 $0xFFFFD800  }
0x28: {  	[spmem:s3] =	stream.indirect.scatter.add.f32 [tilespmem:s18], [sflag:$0x3], $0x80, s31, s17, $0xb8;
	[tilespmem:$0x1F380] =	vst v63  }
0x29: {  	_ =	swait.ge [sflag:s16], $0x2800  }
0x2a: {  	[sflag:s16] =	ssyncset.done $0x0  }
0x2b: {  	s30 =	simm.s32 $0xA0;
	[sflag:s16] =	ssyncadd.s32 $0xFFFFD800  }
0x2c: {  	[tilespmem:s18], [sflag:$0x1] =	stream.indirect.gather [hbm4b:s1+s17], $0x80, s30, s17, $0xb8;
	[tilespmem:$0x1F380] =	vst v63  }
0x2d: {  	_ =	swait.ge [sflag:s15], $0x2800  }
0x2e: {  	[sflag:s15] =	ssyncset.done $0x0  }
0x2f: {  	s31 =	simm.s32 $0x2800;
	[sflag:s15] =	ssyncadd.s32 $0xFFFFD800  }
0x30: {  	[spmem:s3] =	stream.indirect.scatter.add.f32 [tilespmem:s19], [sflag:$0x4], $0x80, s31, s17, $0xb8;
	[tilespmem:$0x1F380] =	vst v63  }
0x31: {  	s28 =	simm.s32 $0x400;
	_ =	swait.ge [sflag:s20], $0x2800  }
0x32: {  	s29 =	simm.s32 $0x800;
	s26 =	simm.s32 $0x140;
	[sflag:s20] =	ssyncset.done $0x0  }
.LBB2_2:
0x33: {  	p0 =	sne.s32 s29, $0xF400;
	s30 =	sadd.s32 $0xFFFFFFB0, s26;
	[sflag:s20] =	ssyncadd.s32 $0xFFFFD800  }
0x34: {  	[tilespmem:s19], [sflag:$0x2] =	stream.indirect.gather [hbm4b:s1+s17], $0x80, s30, s17, $0xb8;
	[tilespmem:$0x1F380] =	vst v63  }
0x35: {  	s30 =	smov.u32 s29;
	s29 =	sadd.s32 $0x400, s29;
	_ =	swait.ge [sflag:s14], $0x2800  }
0x36: {  	s31 =	sshra.s32 s28, $0x2;
	s28 =	smov.u32 s30;
	[sflag:s14] =	ssyncset.done $0x0  }
0x37: {  	s30 =	sadd.s32 $0x2780, s31;
	[sflag:s14] =	ssyncadd.s32 $0xFFFFD800  }
0x38: {  	[spmem:s3] =	stream.indirect.scatter.add.f32 [tilespmem:s18], [sflag:$0x3], $0x80, s30, s17, $0xb8;
	[tilespmem:$0x1F380] =	vst v63  }
0x39: {  	_ =	swait.ge [sflag:s16], $0x2800  }
0x3a: {  	[sflag:s16] =	ssyncset.done $0x0  }
0x3b: {  	[sflag:s16] =	ssyncadd.s32 $0xFFFFD800  }
0x3c: {  	[tilespmem:s18], [sflag:$0x1] =	stream.indirect.gather [hbm4b:s1+s17], $0x80, s26, s17, $0xb8;
	[tilespmem:$0x1F380] =	vst v63  }
0x3d: {  	_ =	swait.ge [sflag:s15], $0x2800  }
.Ltmp0:
0x3e: {  	[sflag:s15] =	ssyncset.done $0x0;
	(pc) =	sbr.rel @p0 .LBB2_2-.Ltmp0, $4  }
0x3f: {  	s30 =	sadd.s32 $0x2800, s31;
	[sflag:s15] =	ssyncadd.s32 $0xFFFFD800  }
0x40: {  	[spmem:s3] =	stream.indirect.scatter.add.f32 [tilespmem:s19], [sflag:$0x4], $0x80, s30, s17, $0xb8;
	[tilespmem:$0x1F380] =	vst v63  }
0x41: {  	_ =	swait.ge [sflag:s20], $0x2800  }
0x42: {  	s26 =	sadd.s32 $0xA0, s26;
	[sflag:s20] =	ssyncset.done $0x0  }
0x43: {  	s29 =	sadd.s32 $0xFFFFFFB0, s26;
	[sflag:s20] =	ssyncadd.s32 $0xFFFFD800  }
0x44: {  	[tilespmem:s19], [sflag:$0x2] =	stream.indirect.gather [hbm4b:s1+s17], $0x80, s29, s17, $0xb8;
	[tilespmem:$0x1F380] =	vst v63  }
0x45: {  	_ =	swait.ge [sflag:s14], $0x2800  }
0x46: {  	s28 =	sshra.s32 s28, $0x2;
	[sflag:s14] =	ssyncset.done $0x0  }
0x47: {  	s30 =	sadd.s32 $0x2780, s28;
	[sflag:s14] =	ssyncadd.s32 $0xFFFFD800  }
0x48: {  	[spmem:s3] =	stream.indirect.scatter.add.f32 [tilespmem:s18], [sflag:$0x3], $0x80, s30, s17, $0xb8;
	[tilespmem:$0x1F380] =	vst v63  }
0x49: {  	_ =	swait.ge [sflag:s16], $0x2800  }
0x4a: {  	[sflag:s16] =	ssyncset.done $0x0  }
0x4b: {  	[sflag:s16] =	ssyncadd.s32 $0xFFFFD800  }
0x4c: {  	[tilespmem:s18], [sflag:$0x1] =	stream.indirect.gather [hbm4b:s1+s17], $0x80, s26, s17, $0xb8;
	[tilespmem:$0x1F380] =	vst v63  }
0x4d: {  	_ =	swait.ge [sflag:s15], $0x2800  }
0x4e: {  	[sflag:s15] =	ssyncset.done $0x0  }
0x4f: {  	s31 =	sadd.s32 $0x2800, s28;
	[sflag:s15] =	ssyncadd.s32 $0xFFFFD800  }
0x50: {  	[spmem:s3] =	stream.indirect.scatter.add.f32 [tilespmem:s19], [sflag:$0x4], $0x80, s31, s17, $0xb8;
	[tilespmem:$0x1F380] =	vst v63  }
0x51: {  	_ =	swait.ge [sflag:s20], $0x2800  }
0x52: {  	[sflag:s20] =	ssyncset.done $0x0  }
0x53: {  	[sflag:s20] =	ssyncadd.s32 $0xFFFFD800  }
0x54: {  	_ =	swait.ge [sflag:s14], $0x2800  }
0x55: {  	[sflag:s14] =	ssyncset.done $0x0  }
0x56: {  	[sflag:s14] =	ssyncadd.s32 $0xFFFFD800  }
0x57: {  	[spmem:s3] =	stream.indirect.scatter.add.f32 [tilespmem:s18], [sflag:$0x3], $0x80, s21, s17, $0xb8;
	[tilespmem:$0x1F380] =	vst v63  }
0x58: {  	_ =	swait.ge [sflag:s16], $0x2800  }
0x59: {  	s25 =	sadd.s32 $0x1, s25;
	[sflag:s16] =	ssyncset.done $0x0  }
0x5a: {  	p0 =	sne.s32 s25, s9;
	[sflag:s16] =	ssyncadd.s32 $0xFFFFD800  }
.Ltmp1:
0x5b: {  	[bflag:$0x0] =	sbarrier.arrive $0xFFFF;
	(pc) =	sbr.rel @p0 .LBB2_1-.Ltmp1, $4  }
0x5c: {  	[hbm:s22], [sflag:s23] =	dma.local [spmem:s10], $0x2780  }
0x5d: {  	_ =	swait.ge [sflag:s24], $0x2780  }
0x5e: {  	[sflag:s24] =	ssyncset.done $0x0  }
0x5f: {  	[sflag:s24] =	ssyncadd.s32 $0xFFFFD880  }
0x60: {  	_ =	sfence.sel $0x180000  }
0x61: {  	[bflag:$0x0] =	sbarrier.arrive $0xFFFF  }
0x62: {  	p0 =	sne.s32 s0, $0x0;
	_ =	strace $0x90000047  }
0x63: {  	s0 =	sadd.s32 @!p0 $0x100000, s2;
	[bflag:$0x2] =	sbarrier.arrive $0xFFFF  }
0x64: {  	[sflag:s0] =	ssyncadd.tile.s32 @!p0 $0x1;
	_ =	shalt  }
.Lfunc_end2:
_tile_overlayer_lowered:
.L_overlay_start_2:
0x65: {  	(tag) =	ssettag $0x2  }
0x66: {  	s0 =	rddreg [dreg:$0x0];
	s2 =	stileid.u32  }
0x67: {  	s1 =	rddreg [dreg:$0x1];
	p0 =	sne.s32 s2, $0x0  }
0x68: {  	s3 =	rddreg [dreg:$0x2];
	[bflag:$0x3] =	sbarrier.arrive $0xFFFF;
	s2 =	simm.s32 @!p0 $0x1C05  }
0x69: {  	[timem:s3], [sflag:s2] =	dma.local @!p0 [hbm:s0], s1  }
0x6a: {  	s0 =	simm.s32 @!p0 $0x5  }
0x6b: {  	_ =	swait.ge @!p0 [sflag:s0], s1  }
0x6c: {  	s1 =	ssub.s32 @!p0 $0x0, s1;
	[sflag:s0] =	ssyncset.done @!p0 $0x0  }
0x6d: {  	[sflag:s0] =	ssyncadd.s32 @!p0 s1  }
0x6e: {  	[bflag:$0x3] =	sbarrier.arrive $0xFFFF  }
0x6f: {  	_ =	shalt  }

</sc_bundles>
